<compile_context>
chip_gen: v7x
topology: tpu7x:2x2x1
jax: 0.10.2.dev20260603
libtpu: 0.0.44.dev20260713+nightly
codegen_flags: <defaults>
</compile_context>

<pallas_src>
import jax
import jax.numpy as jnp
from jax import lax
from jax.experimental import pallas as pl
from jax.experimental.pallas import tpu as pltpu
from jax.experimental.pallas import tpu_sc as plsc

N = 1_000_000
B = 16_384
NC = 2
NS = 16
L = 16
NW = NC * NS
CHUNK = 31_264
LAST = N - (NW - 1) * CHUNK
VECS = B // L
G_I = 128
SENT = 2_147_483_647

_DNUMS = lax.GatherDimensionNumbers(
    offset_dims=(), collapsed_slice_dims=(0,), start_index_map=(0,))


def _vgather(x, i):
    return lax.gather(x, i[:, None], _DNUMS, (1,),
                      mode=lax.GatherScatterMode.PROMISE_IN_BOUNDS)


def _fused_body(lu_hbm, ts_hbm, ids_hbm, out_hbm, rel_hbm, tbl, ids_v, ts_v,
                cpos, crel, dsem, rsem):
    wid = lax.axis_index("s") * NC + lax.axis_index("c")
    base = wid * CHUNK
    is_last = wid == NW - 1
    hi = jnp.minimum(base + CHUNK, N)

    @pl.when(jnp.logical_not(is_last))
    def _():
        pltpu.async_copy(lu_hbm.at[pl.ds(base, CHUNK)],
                         tbl.at[pl.ds(0, CHUNK)], dsem)

    @pl.when(is_last)
    def _():
        pltpu.async_copy(lu_hbm.at[pl.ds(base, LAST)],
                         tbl.at[pl.ds(0, LAST)], dsem)

    pltpu.sync_copy(ids_hbm, ids_v)
    pltpu.sync_copy(ts_hbm, ts_v)

    iota = lax.iota(jnp.int32, L)

    @plsc.parallel_loop(0, VECS, carry=jnp.int32(0))
    def scan(i, pos):
        ids = ids_v[pl.ds(i * L, L)]
        ts = ts_v[pl.ds(i * L, L)]
        m = (ids >= base) & (ids < hi)
        cnt = plsc.all_reduce_population_count(m)[0]
        key = jnp.where(m, ids, SENT)
        s_id, s_t = plsc.sort_key_val(key, ts)
        _, s_p = plsc.sort_key_val(key, i * L + iota)
        keep = iota < cnt
        dst = pos + iota
        plsc.store_scatter(ids_v, [dst], s_id, mask=keep)
        plsc.store_scatter(ts_v, [dst], s_t, mask=keep)
        plsc.store_scatter(cpos, [dst >> 7, dst & (G_I - 1)], s_p, mask=keep)
        return pos + cnt

    W = scan

    @pl.when(jnp.logical_not(is_last))
    def _():
        pltpu.make_async_copy(lu_hbm.at[pl.ds(base, CHUNK)],
                              tbl.at[pl.ds(0, CHUNK)], dsem).wait()

    @pl.when(is_last)
    def _():
        pltpu.make_async_copy(lu_hbm.at[pl.ds(base, LAST)],
                              tbl.at[pl.ds(0, LAST)], dsem).wait()

    nv = (W + L - 1) >> 4

    def rmw(i, carry):
        ids = ids_v[pl.ds(i * L, L)]
        ts = ts_v[pl.ds(i * L, L)]
        valid = (i * L + iota) < W
        s_id, s_t = plsc.sort_key_val(jnp.where(valid, ids, SENT),
                                      jnp.where(valid, ts, -jnp.inf))
        nxt = _vgather(s_id, jnp.minimum(iota + 1, L - 1))
        final = ((iota == L - 1) | (s_id != nxt)) & (s_id != SENT)
        mv = s_t
        for d in (1, 2, 4, 8):
            src = jnp.maximum(iota - d, 0)
            pv = _vgather(mv, src)
            pid = _vgather(s_id, src)
            mv = jnp.where((iota >= d) & (pid == s_id),
                           jnp.maximum(mv, pv), mv)
        li = jnp.where(final, s_id - base, 0)
        cur = plsc.load_gather(tbl, [li], mask=final)
        plsc.store_scatter(tbl, [li], jnp.maximum(cur, mv), mask=final)
        return carry

    lax.fori_loop(0, nv, rmw, 0)

    @pl.when(jnp.logical_not(is_last))
    def _():
        pltpu.async_copy(tbl.at[pl.ds(0, CHUNK)],
                         out_hbm.at[pl.ds(base, CHUNK)], dsem)

    @pl.when(is_last)
    def _():
        pltpu.async_copy(tbl.at[pl.ds(0, LAST)],
                         out_hbm.at[pl.ds(base, LAST)], dsem)

    def relstep(i, carry):
        ids = ids_v[pl.ds(i * L, L)]
        ts = ts_v[pl.ds(i * L, L)]
        valid = (i * L + iota) < W
        li = jnp.where(valid, ids - base, 0)
        fv = plsc.load_gather(tbl, [li], mask=valid)
        crel[pl.ds(i * L, L)] = ts - jnp.where(jnp.isinf(fv), ts, fv)
        return carry

    lax.fori_loop(0, nv, relstep, 0)

    nt = (W + G_I - 1) >> 7

    @pl.when(W > 0)
    def _():
        z = iota * 0
        p0 = _vgather(cpos[0, pl.ds(0, L)], z)
        r0 = _vgather(crel[pl.ds(0, L)], z)
        padded = nt << 7
        for k in range(G_I // L):
            off = W + k * L
            mpad = (off + iota) < padded
            plsc.store_scatter(cpos, [(off + iota) >> 7,
                                      (off + iota) & (G_I - 1)], p0, mask=mpad)
            plsc.store_scatter(crel, [off + iota], r0, mask=mpad)

    def send(j, carry):
        pltpu.async_copy(crel.at[pl.ds(j * G_I, G_I)],
                         rel_hbm.at[cpos.at[j]], rsem)
        return carry

    lax.fori_loop(0, nt, send, 0)

    def drain(j, carry):
        pltpu.make_async_copy(lu_hbm.at[pl.ds(0, G_I)],
                              crel.at[pl.ds(0, G_I)], rsem).wait()
        return carry

    lax.fori_loop(0, nt, drain, 0)

    @pl.when(jnp.logical_not(is_last))
    def _():
        pltpu.make_async_copy(tbl.at[pl.ds(0, CHUNK)],
                              out_hbm.at[pl.ds(base, CHUNK)], dsem).wait()

    @pl.when(is_last)
    def _():
        pltpu.make_async_copy(tbl.at[pl.ds(0, LAST)],
                              out_hbm.at[pl.ds(base, LAST)], dsem).wait()


def kernel(last_update, times, dst_ids):
    mesh = plsc.VectorSubcoreMesh(core_axis_name="c", subcore_axis_name="s")
    fused = pl.kernel(
        _fused_body,
        out_type=(jax.ShapeDtypeStruct((N,), jnp.float32),
                  jax.ShapeDtypeStruct((B,), jnp.float32)),
        mesh=mesh,
        compiler_params=pltpu.CompilerParams(needs_layout_passes=False),
        scratch_types=[
            pltpu.VMEM((CHUNK,), jnp.float32),
            pltpu.VMEM((B,), jnp.int32),
            pltpu.VMEM((B,), jnp.float32),
            pltpu.VMEM((B // G_I, G_I), jnp.int32),
            pltpu.VMEM((B,), jnp.float32),
            pltpu.SemaphoreType.DMA,
            pltpu.SemaphoreType.DMA,
        ],
    )
    ids = dst_ids.astype(jnp.int32)
    updated, rel = fused(last_update, times, ids)
    return (updated, rel)

# --- scband reference (transcript-rebuilt; emitter-appended) ---
"""Pipeline reference for scband-last-update-store-86947317940590 (READ-ONLY COPY).

The authoritative reference and input builder live on the scoring server;
editing this copy changes nothing except your own understanding.
"""

import jax, jax.numpy as jnp
import numpy as np

NUM_NODES = 1000000
BATCH = 16384


def setup_inputs(seed: int = 0) -> dict:
    key = jax.random.key(seed)
    k1, k2, k3, k4 = jax.random.split(key, 4)
    dst_ids = jax.random.randint(k1, (BATCH,), 0, NUM_NODES, dtype=jnp.int64 if jax.config.jax_enable_x64 else jnp.int32)
    times = jax.random.uniform(k2, (BATCH,), dtype=jnp.float32) * 100.0
    # buffer state: faithful init is all -inf, but we mix in some previously-written
    # timestamps so both branches of the isinf() select are exercised.
    vals = jax.random.uniform(k3, (NUM_NODES,), dtype=jnp.float32) * 50.0
    mask = jax.random.uniform(k4, (NUM_NODES,)) < 0.5
    last_update = jnp.where(mask, -jnp.inf, vals)
    return {"last_update": last_update, "times": times, "dst_ids": dst_ids}


def reference(last_update, times, dst_ids):
    # set_last_update: scatter-max of event times into the per-node buffer
    new_update = jax.ops.segment_max(times, dst_ids, num_segments=NUM_NODES)
    updated = jnp.maximum(last_update, new_update)
    # calc_relative_time: gather and subtract, with -inf (never-updated) -> 0
    lu = updated[dst_ids]
    rel = times - jnp.where(jnp.isinf(lu), times, lu)
    return (updated, rel)

if __name__ == "__main__":
    import jax
    _d = setup_inputs()
    print(jax.jit(kernel)(*tuple(_d.values())))

</pallas_src>

<mosaic_0001>
#map = affine_map<(d0, d1) -> (0)>
module attributes {stable_mosaic.version = 14 : i64} {
  func.func @_fused_body(%arg0: i32, %arg1: i32, %arg2: memref<1000000xf32, #tpu.memory_space<hbm>>, %arg3: memref<16384xf32, #tpu.memory_space<hbm>>, %arg4: memref<16384xi32, #tpu.memory_space<hbm>>, %arg5: memref<1000000xf32, #tpu.memory_space<hbm>>, %arg6: memref<16384xf32, #tpu.memory_space<hbm>>, %arg7: memref<31264xf32, #tpu.memory_space<vmem>>, %arg8: memref<16384xi32, #tpu.memory_space<vmem>>, %arg9: memref<16384xf32, #tpu.memory_space<vmem>>, %arg10: memref<128x128xi32, #tpu.memory_space<vmem>>, %arg11: memref<16384xf32, #tpu.memory_space<vmem>>, %arg12: memref<!tpu.dma_semaphore, #tpu.memory_space<semaphore_mem>>, %arg13: memref<!tpu.dma_semaphore, #tpu.memory_space<semaphore_mem>>) attributes {dimension_semantics = [#tpu.dimension_semantics<core_parallel>, #tpu.dimension_semantics<subcore_parallel>], iteration_bounds = array<i64: 2, 16>, scalar_prefetch = 0 : i64, scratch_operands = 7 : i64, tpu.core_type = #tpu.core_type<sc_vector_subcore>, window_params = [{transform_indices = #map}, {transform_indices = #map}, {transform_indices = #map}, {transform_indices = #map}, {transform_indices = #map}]} {
    %mul3A = arith.constant 2 : i32
    %mul3A_0 = arith.muli %arg1, %mul3A : i32
    %add3A = arith.addi %mul3A_0, %arg0 : i32
    %mul3A_1 = arith.constant 31264 : i32
    %mul3A_2 = arith.muli %add3A, %mul3A_1 : i32
    %eq3A = arith.constant 31 : i32
    %eq3A_3 = arith.cmpi eq, %add3A, %eq3A : i32
    %add3A_4 = arith.constant 31264 : i32
    %add3A_5 = arith.addi %mul3A_2, %add3A_4 : i32
    %min3A = arith.constant 1000000 : i32
    %min3A_6 = arith.minsi %add3A_5, %min3A : i32
    %not3A = arith.constant true
    %not3A_7 = arith.xori %eq3A_3, %not3A : i1
    %convert_element_type3A = arith.extui %not3A_7 : i1 to i32
    %cond3A = arith.constant 0 : i32
    %cond3A_8 = arith.cmpi ne, %convert_element_type3A, %cond3A : i32
    scf.if %cond3A_8 {
      %dma_start3A = arith.constant 0 : i32
      %dma_start3A_93 = tpu.memref_slice %arg7[%dma_start3A] : memref<31264xf32, #tpu.memory_space<vmem>> -> memref<31264xf32, #tpu.memory_space<vmem>>
      %dma_start3A_94 = tpu.memref_slice %arg2[%mul3A_2] : memref<1000000xf32, #tpu.memory_space<hbm>> -> memref<31264xf32, #tpu.memory_space<hbm>>
      %dma_start3A_95 = arith.constant 0 : i32
      %dma_start3A_96 = tpu.memref_slice %arg7[%dma_start3A_95] : memref<31264xf32, #tpu.memory_space<vmem>> -> memref<31264xf32, #tpu.memory_space<vmem>>
      %dma_start3A_97 = tpu.memref_slice %arg2[%mul3A_2] : memref<1000000xf32, #tpu.memory_space<hbm>> -> memref<31264xf32, #tpu.memory_space<hbm>>
      tpu.enqueue_dma source(%dma_start3A_97 : memref<31264xf32, #tpu.memory_space<hbm>>) target(%dma_start3A_96 : memref<31264xf32, #tpu.memory_space<vmem>>) target_semaphore(%arg12 : memref<!tpu.dma_semaphore, #tpu.memory_space<semaphore_mem>>)
    } else {
    }
    %convert_element_type3A_9 = arith.extui %eq3A_3 : i1 to i32
    %cond3A_10 = arith.constant 0 : i32
    %cond3A_11 = arith.cmpi ne, %convert_element_type3A_9, %cond3A_10 : i32
    scf.if %cond3A_11 {
      %dma_start3A = arith.constant 0 : i32
      %dma_start3A_93 = tpu.memref_slice %arg7[%dma_start3A] : memref<31264xf32, #tpu.memory_space<vmem>> -> memref<30816xf32, #tpu.memory_space<vmem>>
      %dma_start3A_94 = tpu.memref_slice %arg2[%mul3A_2] : memref<1000000xf32, #tpu.memory_space<hbm>> -> memref<30816xf32, #tpu.memory_space<hbm>>
      %dma_start3A_95 = arith.constant 0 : i32
      %dma_start3A_96 = tpu.memref_slice %arg7[%dma_start3A_95] : memref<31264xf32, #tpu.memory_space<vmem>> -> memref<30816xf32, #tpu.memory_space<vmem>>
      %dma_start3A_97 = tpu.memref_slice %arg2[%mul3A_2] : memref<1000000xf32, #tpu.memory_space<hbm>> -> memref<30816xf32, #tpu.memory_space<hbm>>
      tpu.enqueue_dma source(%dma_start3A_97 : memref<30816xf32, #tpu.memory_space<hbm>>) target(%dma_start3A_96 : memref<30816xf32, #tpu.memory_space<vmem>>) target_semaphore(%arg12 : memref<!tpu.dma_semaphore, #tpu.memory_space<semaphore_mem>>)
    } else {
    }
    "tpu.region"() ({
      %run_scoped3A = tpu.sem_alloc : memref<!tpu.dma_semaphore, #tpu.memory_space<semaphore_mem>>
      tpu.enqueue_dma source(%arg4 : memref<16384xi32, #tpu.memory_space<hbm>>) target(%arg8 : memref<16384xi32, #tpu.memory_space<vmem>>) target_semaphore(%run_scoped3A : memref<!tpu.dma_semaphore, #tpu.memory_space<semaphore_mem>>)
      tpu.wait_dma2 semaphore(%run_scoped3A : memref<!tpu.dma_semaphore, #tpu.memory_space<semaphore_mem>>) src(%arg4 : memref<16384xi32, #tpu.memory_space<hbm>>) dst(%arg8 : memref<16384xi32, #tpu.memory_space<vmem>>)
      tpu.yield
    }) : () -> ()
    "tpu.region"() ({
      %run_scoped3A = tpu.sem_alloc : memref<!tpu.dma_semaphore, #tpu.memory_space<semaphore_mem>>
      tpu.enqueue_dma source(%arg3 : memref<16384xf32, #tpu.memory_space<hbm>>) target(%arg9 : memref<16384xf32, #tpu.memory_space<vmem>>) target_semaphore(%run_scoped3A : memref<!tpu.dma_semaphore, #tpu.memory_space<semaphore_mem>>)
      tpu.wait_dma2 semaphore(%run_scoped3A : memref<!tpu.dma_semaphore, #tpu.memory_space<semaphore_mem>>) src(%arg3 : memref<16384xf32, #tpu.memory_space<hbm>>) dst(%arg9 : memref<16384xf32, #tpu.memory_space<vmem>>)
      tpu.yield
    }) : () -> ()
    %iota3A = tpu.iota {dimensions = array<i32: 0>} : vector<16xi32>
    %parallel_loop3A = arith.constant 0 : i32
    %parallel_loop3A_12 = arith.constant 1024 : i32
    %parallel_loop3A_13 = arith.constant 1 : i32
    %parallel_loop3A_14 = arith.constant 0 : i32
    %parallel_loop3A_15 = scf.for %parallel_loop3A_93 = %parallel_loop3A to %parallel_loop3A_12 step %parallel_loop3A_13 iter_args(%parallel_loop3A_94 = %parallel_loop3A_14) -> (i32)  : i32 {
      %parallel_loop3A_95 = arith.constant 16 : i32
      %parallel_loop3A_96 = arith.muli %parallel_loop3A_93, %parallel_loop3A_95 : i32
      %parallel_loop3A_97 = arith.index_cast %parallel_loop3A_96 : i32 to index
      %parallel_loop3A_98 = tpu.vector_load %arg8[%parallel_loop3A_97] {strides = array<i32>} : memref<16384xi32, #tpu.memory_space<vmem>>, vector<16xi32>,
      %parallel_loop3A_99 = arith.constant 16 : i32
      %parallel_loop3A_100 = arith.muli %parallel_loop3A_93, %parallel_loop3A_99 : i32
      %parallel_loop3A_101 = arith.index_cast %parallel_loop3A_100 : i32 to index
      %parallel_loop3A_102 = tpu.vector_load %arg9[%parallel_loop3A_101] {strides = array<i32>} : memref<16384xf32, #tpu.memory_space<vmem>>, vector<16xf32>,
      %parallel_loop3A_103 = vector.broadcast %mul3A_2 : i32 to vector<16xi32>
      %parallel_loop3A_104 = arith.cmpi sge, %parallel_loop3A_98, %parallel_loop3A_103 : vector<16xi32>
      %parallel_loop3A_105 = vector.broadcast %min3A_6 : i32 to vector<16xi32>
      %parallel_loop3A_106 = arith.cmpi slt, %parallel_loop3A_98, %parallel_loop3A_105 : vector<16xi32>
      %parallel_loop3A_107 = arith.andi %parallel_loop3A_104, %parallel_loop3A_106 : vector<16xi1>
      %parallel_loop3A_108 = tpu.all_reduce %parallel_loop3A_107 {dim = 0 : i64, kind = #tpu.reduction_kind<sum>} : vector<16xi1> -> vector<16xi32>
      %parallel_loop3A_109 = vector.extract_strided_slice %parallel_loop3A_108 {offsets = [0], sizes = [1], strides = [1]} : vector<16xi32> to vector<1xi32>
      %parallel_loop3A_110 = vector.extract %parallel_loop3A_109[0] : i32 from vector<1xi32>
      %parallel_loop3A_111 = arith.constant 2147483647 : i32
      %parallel_loop3A_112 = vector.broadcast %parallel_loop3A_111 : i32 to vector<16xi32>
      %parallel_loop3A_113 = arith.select %parallel_loop3A_107, %parallel_loop3A_98, %parallel_loop3A_112 : vector<16xi1>, vector<16xi32>
      %parallel_loop3A_114 = arith.constant dense<true> : vector<16xi1>
      %parallel_loop3A_115 = arith.constant -2147483648 : i32
      %parallel_loop3A_116 = vector.broadcast %parallel_loop3A_115 : i32 to vector<16xi32>
      %parallel_loop3A_117 = arith.xori %parallel_loop3A_113, %parallel_loop3A_116 : vector<16xi32>
      %parallel_loop3A_118, %parallel_loop3A_119, %parallel_loop3A_120 = tpu.sort %parallel_loop3A_117, %parallel_loop3A_102 masked %parallel_loop3A_114 : (vector<16xi32>, vector<16xf32>, vector<16xi1>) -> (vector<16xi1>, vector<16xi32>, vector<16xf32>)
      %parallel_loop3A_121 = arith.xori %parallel_loop3A_119, %parallel_loop3A_116 : vector<16xi32>
      %parallel_loop3A_122 = arith.constant 16 : i32
      %parallel_loop3A_123 = arith.muli %parallel_loop3A_93, %parallel_loop3A_122 : i32
      %parallel_loop3A_124 = vector.broadcast %parallel_loop3A_123 : i32 to vector<16xi32>
      %parallel_loop3A_125 = arith.addi %parallel_loop3A_124, %iota3A : vector<16xi32>
      %parallel_loop3A_126 = arith.constant dense<true> : vector<16xi1>
      %parallel_loop3A_127 = arith.constant -2147483648 : i32
      %parallel_loop3A_128 = vector.broadcast %parallel_loop3A_127 : i32 to vector<16xi32>
      %parallel_loop3A_129 = arith.xori %parallel_loop3A_113, %parallel_loop3A_128 : vector<16xi32>
      %parallel_loop3A_130, %parallel_loop3A_131, %parallel_loop3A_132 = tpu.sort %parallel_loop3A_129, %parallel_loop3A_125 masked %parallel_loop3A_126 : (vector<16xi32>, vector<16xi32>, vector<16xi1>) -> (vector<16xi1>, vector<16xi32>, vector<16xi32>)
      %parallel_loop3A_133 = arith.xori %parallel_loop3A_131, %parallel_loop3A_128 : vector<16xi32>
      %parallel_loop3A_134 = vector.broadcast %parallel_loop3A_110 : i32 to vector<16xi32>
      %parallel_loop3A_135 = arith.cmpi slt, %iota3A, %parallel_loop3A_134 : vector<16xi32>
      %parallel_loop3A_136 = vector.broadcast %parallel_loop3A_94 : i32 to vector<16xi32>
      %parallel_loop3A_137 = arith.addi %parallel_loop3A_136, %iota3A : vector<16xi32>
      tpu.vector_store_idx %arg8[%parallel_loop3A_137], %parallel_loop3A_121 masked %parallel_loop3A_135 : memref<16384xi32, #tpu.memory_space<vmem>>[vector<16xi32>], vector<16xi32>, vector<16xi1>
      tpu.vector_store_idx %arg9[%parallel_loop3A_137], %parallel_loop3A_120 masked %parallel_loop3A_135 : memref<16384xf32, #tpu.memory_space<vmem>>[vector<16xi32>], vector<16xf32>, vector<16xi1>
      %parallel_loop3A_138 = arith.constant 7 : i32
      %parallel_loop3A_139 = vector.broadcast %parallel_loop3A_138 : i32 to vector<16xi32>
      %parallel_loop3A_140 = arith.shrsi %parallel_loop3A_137, %parallel_loop3A_139 : vector<16xi32>
      %parallel_loop3A_141 = arith.constant 127 : i32
      %parallel_loop3A_142 = vector.broadcast %parallel_loop3A_141 : i32 to vector<16xi32>
      %parallel_loop3A_143 = arith.andi %parallel_loop3A_137, %parallel_loop3A_142 : vector<16xi32>
      tpu.vector_store_idx %arg10[%parallel_loop3A_140, %parallel_loop3A_143], %parallel_loop3A_132 masked %parallel_loop3A_135 : memref<128x128xi32, #tpu.memory_space<vmem>>[vector<16xi32>, vector<16xi32>], vector<16xi32>, vector<16xi1>
      %parallel_loop3A_144 = arith.addi %parallel_loop3A_94, %parallel_loop3A_110 : i32
      scf.yield %parallel_loop3A_144 : i32
    } {sc.loop_unroll_factor = 1 : i64, sc.parallel_access}
    %not3A_16 = arith.constant true
    %not3A_17 = arith.xori %eq3A_3, %not3A_16 : i1
    %convert_element_type3A_18 = arith.extui %not3A_17 : i1 to i32
    %cond3A_19 = arith.constant 0 : i32
    %cond3A_20 = arith.cmpi ne, %convert_element_type3A_18, %cond3A_19 : i32
    scf.if %cond3A_20 {
      %dma_wait3A = arith.constant 0 : i32
      %dma_wait3A_93 = tpu.memref_slice %arg7[%dma_wait3A] : memref<31264xf32, #tpu.memory_space<vmem>> -> memref<31264xf32, #tpu.memory_space<vmem>>
      %dma_wait3A_94 = tpu.memref_slice %arg2[%mul3A_2] : memref<1000000xf32, #tpu.memory_space<hbm>> -> memref<31264xf32, #tpu.memory_space<hbm>>
      %dma_wait3A_95 = arith.constant 0 : i32
      %dma_wait3A_96 = tpu.memref_slice %arg7[%dma_wait3A_95] : memref<31264xf32, #tpu.memory_space<vmem>> -> memref<31264xf32, #tpu.memory_space<vmem>>
      %dma_wait3A_97 = tpu.memref_slice %arg2[%mul3A_2] : memref<1000000xf32, #tpu.memory_space<hbm>> -> memref<31264xf32, #tpu.memory_space<hbm>>
      tpu.wait_dma2 semaphore(%arg12 : memref<!tpu.dma_semaphore, #tpu.memory_space<semaphore_mem>>) src(%dma_wait3A_97 : memref<31264xf32, #tpu.memory_space<hbm>>) dst(%dma_wait3A_96 : memref<31264xf32, #tpu.memory_space<vmem>>)
    } else {
    }
    %convert_element_type3A_21 = arith.extui %eq3A_3 : i1 to i32
    %cond3A_22 = arith.constant 0 : i32
    %cond3A_23 = arith.cmpi ne, %convert_element_type3A_21, %cond3A_22 : i32
    scf.if %cond3A_23 {
      %dma_wait3A = arith.constant 0 : i32
      %dma_wait3A_93 = tpu.memref_slice %arg7[%dma_wait3A] : memref<31264xf32, #tpu.memory_space<vmem>> -> memref<30816xf32, #tpu.memory_space<vmem>>
      %dma_wait3A_94 = tpu.memref_slice %arg2[%mul3A_2] : memref<1000000xf32, #tpu.memory_space<hbm>> -> memref<30816xf32, #tpu.memory_space<hbm>>
      %dma_wait3A_95 = arith.constant 0 : i32
      %dma_wait3A_96 = tpu.memref_slice %arg7[%dma_wait3A_95] : memref<31264xf32, #tpu.memory_space<vmem>> -> memref<30816xf32, #tpu.memory_space<vmem>>
      %dma_wait3A_97 = tpu.memref_slice %arg2[%mul3A_2] : memref<1000000xf32, #tpu.memory_space<hbm>> -> memref<30816xf32, #tpu.memory_space<hbm>>
      tpu.wait_dma2 semaphore(%arg12 : memref<!tpu.dma_semaphore, #tpu.memory_space<semaphore_mem>>) src(%dma_wait3A_97 : memref<30816xf32, #tpu.memory_space<hbm>>) dst(%dma_wait3A_96 : memref<30816xf32, #tpu.memory_space<vmem>>)
    } else {
    }
    %add3A_24 = arith.constant 16 : i32
    %add3A_25 = arith.addi %parallel_loop3A_15, %add3A_24 : i32
    %sub3A = arith.constant 1 : i32
    %sub3A_26 = arith.subi %add3A_25, %sub3A : i32
    %shift_right_arithmetic3A = arith.constant 4 : i32
    %shift_right_arithmetic3A_27 = arith.shrsi %sub3A_26, %shift_right_arithmetic3A : i32
    %while3A = arith.constant 0 : i32
    %while3A_28 = arith.constant 0 : i32
    %while3A_29 = arith.subi %shift_right_arithmetic3A_27, %while3A_28 : i32
    %while3A_30 = arith.addi %while3A_28, %while3A_29 : i32
    %while3A_31 = arith.constant 1 : i32
    %while3A_32 = arith.divsi %while3A_29, %while3A_31 : i32
    %while3A_33 = arith.muli %while3A_32, %while3A_31 : i32
    %while3A_34 = arith.addi %while3A_28, %while3A_33 : i32
    %while3A_35 = arith.constant 1 : i32
    scf.for %while3A_93 = %while3A_28 to %while3A_34 step %while3A_35  : i32 {
      %mul3A_94 = arith.constant 16 : i32
      %mul3A_95 = arith.muli %while3A_93, %mul3A_94 : i32
      %get3A = arith.index_cast %mul3A_95 : i32 to index
      %get3A_96 = tpu.vector_load %arg8[%get3A] {strides = array<i32>} : memref<16384xi32, #tpu.memory_space<vmem>>, vector<16xi32>,
      %mul3A_97 = arith.constant 16 : i32
      %mul3A_98 = arith.muli %while3A_93, %mul3A_97 : i32
      %get3A_99 = arith.index_cast %mul3A_98 : i32 to index
      %get3A_100 = tpu.vector_load %arg9[%get3A_99] {strides = array<i32>} : memref<16384xf32, #tpu.memory_space<vmem>>, vector<16xf32>,
      %mul3A_101 = arith.constant 16 : i32
      %mul3A_102 = arith.muli %while3A_93, %mul3A_101 : i32
      %add3A_103 = vector.broadcast %mul3A_102 : i32 to vector<16xi32>
      %add3A_104 = arith.addi %add3A_103, %iota3A : vector<16xi32>
      %lt3A = vector.broadcast %parallel_loop3A_15 : i32 to vector<16xi32>
      %lt3A_105 = arith.cmpi slt, %add3A_104, %lt3A : vector<16xi32>
      %jit3A = arith.constant 2147483647 : i32
      %broadcast_in_dim3A = vector.broadcast %jit3A : i32 to vector<16xi32>
      %select_n3A = arith.select %lt3A_105, %get3A_96, %broadcast_in_dim3A : vector<16xi1>, vector<16xi32>
      %jit3A_106 = arith.constant 0xFF800000 : f32
      %broadcast_in_dim3A_107 = vector.broadcast %jit3A_106 : f32 to vector<16xf32>
      %select_n3A_108 = arith.select %lt3A_105, %get3A_100, %broadcast_in_dim3A_107 : vector<16xi1>, vector<16xf32>
      %masked_sort3A = arith.constant dense<true> : vector<16xi1>
      %masked_sort3A_109 = arith.constant -2147483648 : i32
      %masked_sort3A_110 = vector.broadcast %masked_sort3A_109 : i32 to vector<16xi32>
      %masked_sort3A_111 = arith.xori %select_n3A, %masked_sort3A_110 : vector<16xi32>
      %masked_sort3A_112, %masked_sort3A_113, %masked_sort3A_114 = tpu.sort %masked_sort3A_111, %select_n3A_108 masked %masked_sort3A : (vector<16xi32>, vector<16xf32>, vector<16xi1>) -> (vector<16xi1>, vector<16xi32>, vector<16xf32>)
      %masked_sort3A_115 = arith.xori %masked_sort3A_113, %masked_sort3A_110 : vector<16xi32>
      %add3A_116 = arith.constant 1 : i32
      %add3A_117 = vector.broadcast %add3A_116 : i32 to vector<16xi32>
      %add3A_118 = arith.addi %iota3A, %add3A_117 : vector<16xi32>
      %min3A_119 = arith.constant 15 : i32
      %min3A_120 = vector.broadcast %min3A_119 : i32 to vector<16xi32>
      %min3A_121 = arith.minsi %add3A_118, %min3A_120 : vector<16xi32>
      %broadcast_in_dim3A_122 = vector.shape_cast %min3A_121 : vector<16xi32> to vector<16x1xi32>
      %gather3A = vector.shape_cast %broadcast_in_dim3A_122 : vector<16x1xi32> to vector<16xi32>
      %gather3A_123 = tpu.dynamic_gather %masked_sort3A_115[%gather3A] in [0] : vector<16xi32>, vector<16xi32> -> vector<16xi32>
      %eq3A_124 = arith.constant 15 : i32
      %eq3A_125 = vector.broadcast %eq3A_124 : i32 to vector<16xi32>
      %eq3A_126 = arith.cmpi eq, %iota3A, %eq3A_125 : vector<16xi32>
      %ne3A = arith.cmpi ne, %masked_sort3A_115, %gather3A_123 : vector<16xi32>
      %or3A = arith.ori %eq3A_126, %ne3A : vector<16xi1>
      %ne3A_127 = arith.constant 2147483647 : i32
      %ne3A_128 = vector.broadcast %ne3A_127 : i32 to vector<16xi32>
      %ne3A_129 = arith.cmpi ne, %masked_sort3A_115, %ne3A_128 : vector<16xi32>
      %and3A = arith.andi %or3A, %ne3A_129 : vector<16xi1>
      %sub3A_130 = arith.constant 1 : i32
      %sub3A_131 = vector.broadcast %sub3A_130 : i32 to vector<16xi32>
      %sub3A_132 = arith.subi %iota3A, %sub3A_131 : vector<16xi32>
      %max3A = arith.constant 0 : i32
      %max3A_133 = vector.broadcast %max3A : i32 to vector<16xi32>
      %max3A_134 = arith.maxsi %sub3A_132, %max3A_133 : vector<16xi32>
      %broadcast_in_dim3A_135 = vector.shape_cast %max3A_134 : vector<16xi32> to vector<16x1xi32>
      %gather3A_136 = vector.shape_cast %broadcast_in_dim3A_135 : vector<16x1xi32> to vector<16xi32>
      %gather3A_137 = tpu.dynamic_gather %masked_sort3A_114[%gather3A_136] in [0] : vector<16xf32>, vector<16xi32> -> vector<16xf32>
      %broadcast_in_dim3A_138 = vector.shape_cast %max3A_134 : vector<16xi32> to vector<16x1xi32>
      %gather3A_139 = vector.shape_cast %broadcast_in_dim3A_138 : vector<16x1xi32> to vector<16xi32>
      %gather3A_140 = tpu.dynamic_gather %masked_sort3A_115[%gather3A_139] in [0] : vector<16xi32>, vector<16xi32> -> vector<16xi32>
      %ge3A = arith.constant 1 : i32
      %ge3A_141 = vector.broadcast %ge3A : i32 to vector<16xi32>
      %ge3A_142 = arith.cmpi sge, %iota3A, %ge3A_141 : vector<16xi32>
      %eq3A_143 = arith.cmpi eq, %gather3A_140, %masked_sort3A_115 : vector<16xi32>
      %and3A_144 = arith.andi %ge3A_142, %eq3A_143 : vector<16xi1>
      %max3A_145 = arith.maximumf %masked_sort3A_114, %gather3A_137 : vector<16xf32>
      %select_n3A_146 = arith.select %and3A_144, %max3A_145, %masked_sort3A_114 : vector<16xi1>, vector<16xf32>
      %sub3A_147 = arith.constant 2 : i32
      %sub3A_148 = vector.broadcast %sub3A_147 : i32 to vector<16xi32>
      %sub3A_149 = arith.subi %iota3A, %sub3A_148 : vector<16xi32>
      %max3A_150 = arith.constant 0 : i32
      %max3A_151 = vector.broadcast %max3A_150 : i32 to vector<16xi32>
      %max3A_152 = arith.maxsi %sub3A_149, %max3A_151 : vector<16xi32>
      %broadcast_in_dim3A_153 = vector.shape_cast %max3A_152 : vector<16xi32> to vector<16x1xi32>
      %gather3A_154 = vector.shape_cast %broadcast_in_dim3A_153 : vector<16x1xi32> to vector<16xi32>
      %gather3A_155 = tpu.dynamic_gather %select_n3A_146[%gather3A_154] in [0] : vector<16xf32>, vector<16xi32> -> vector<16xf32>
      %broadcast_in_dim3A_156 = vector.shape_cast %max3A_152 : vector<16xi32> to vector<16x1xi32>
      %gather3A_157 = vector.shape_cast %broadcast_in_dim3A_156 : vector<16x1xi32> to vector<16xi32>
      %gather3A_158 = tpu.dynamic_gather %masked_sort3A_115[%gather3A_157] in [0] : vector<16xi32>, vector<16xi32> -> vector<16xi32>
      %ge3A_159 = arith.constant 2 : i32
      %ge3A_160 = vector.broadcast %ge3A_159 : i32 to vector<16xi32>
      %ge3A_161 = arith.cmpi sge, %iota3A, %ge3A_160 : vector<16xi32>
      %eq3A_162 = arith.cmpi eq, %gather3A_158, %masked_sort3A_115 : vector<16xi32>
      %and3A_163 = arith.andi %ge3A_161, %eq3A_162 : vector<16xi1>
      %max3A_164 = arith.maximumf %select_n3A_146, %gather3A_155 : vector<16xf32>
      %select_n3A_165 = arith.select %and3A_163, %max3A_164, %select_n3A_146 : vector<16xi1>, vector<16xf32>
      %sub3A_166 = arith.constant 4 : i32
      %sub3A_167 = vector.broadcast %sub3A_166 : i32 to vector<16xi32>
      %sub3A_168 = arith.subi %iota3A, %sub3A_167 : vector<16xi32>
      %max3A_169 = arith.constant 0 : i32
      %max3A_170 = vector.broadcast %max3A_169 : i32 to vector<16xi32>
      %max3A_171 = arith.maxsi %sub3A_168, %max3A_170 : vector<16xi32>
      %broadcast_in_dim3A_172 = vector.shape_cast %max3A_171 : vector<16xi32> to vector<16x1xi32>
      %gather3A_173 = vector.shape_cast %broadcast_in_dim3A_172 : vector<16x1xi32> to vector<16xi32>
      %gather3A_174 = tpu.dynamic_gather %select_n3A_165[%gather3A_173] in [0] : vector<16xf32>, vector<16xi32> -> vector<16xf32>
      %broadcast_in_dim3A_175 = vector.shape_cast %max3A_171 : vector<16xi32> to vector<16x1xi32>
      %gather3A_176 = vector.shape_cast %broadcast_in_dim3A_175 : vector<16x1xi32> to vector<16xi32>
      %gather3A_177 = tpu.dynamic_gather %masked_sort3A_115[%gather3A_176] in [0] : vector<16xi32>, vector<16xi32> -> vector<16xi32>
      %ge3A_178 = arith.constant 4 : i32
      %ge3A_179 = vector.broadcast %ge3A_178 : i32 to vector<16xi32>
      %ge3A_180 = arith.cmpi sge, %iota3A, %ge3A_179 : vector<16xi32>
      %eq3A_181 = arith.cmpi eq, %gather3A_177, %masked_sort3A_115 : vector<16xi32>
      %and3A_182 = arith.andi %ge3A_180, %eq3A_181 : vector<16xi1>
      %max3A_183 = arith.maximumf %select_n3A_165, %gather3A_174 : vector<16xf32>
      %select_n3A_184 = arith.select %and3A_182, %max3A_183, %select_n3A_165 : vector<16xi1>, vector<16xf32>
      %sub3A_185 = arith.constant 8 : i32
      %sub3A_186 = vector.broadcast %sub3A_185 : i32 to vector<16xi32>
      %sub3A_187 = arith.subi %iota3A, %sub3A_186 : vector<16xi32>
      %max3A_188 = arith.constant 0 : i32
      %max3A_189 = vector.broadcast %max3A_188 : i32 to vector<16xi32>
      %max3A_190 = arith.maxsi %sub3A_187, %max3A_189 : vector<16xi32>
      %broadcast_in_dim3A_191 = vector.shape_cast %max3A_190 : vector<16xi32> to vector<16x1xi32>
      %gather3A_192 = vector.shape_cast %broadcast_in_dim3A_191 : vector<16x1xi32> to vector<16xi32>
      %gather3A_193 = tpu.dynamic_gather %select_n3A_184[%gather3A_192] in [0] : vector<16xf32>, vector<16xi32> -> vector<16xf32>
      %broadcast_in_dim3A_194 = vector.shape_cast %max3A_190 : vector<16xi32> to vector<16x1xi32>
      %gather3A_195 = vector.shape_cast %broadcast_in_dim3A_194 : vector<16x1xi32> to vector<16xi32>
      %gather3A_196 = tpu.dynamic_gather %masked_sort3A_115[%gather3A_195] in [0] : vector<16xi32>, vector<16xi32> -> vector<16xi32>
      %ge3A_197 = arith.constant 8 : i32
      %ge3A_198 = vector.broadcast %ge3A_197 : i32 to vector<16xi32>
      %ge3A_199 = arith.cmpi sge, %iota3A, %ge3A_198 : vector<16xi32>
      %eq3A_200 = arith.cmpi eq, %gather3A_196, %masked_sort3A_115 : vector<16xi32>
      %and3A_201 = arith.andi %ge3A_199, %eq3A_200 : vector<16xi1>
      %max3A_202 = arith.maximumf %select_n3A_184, %gather3A_193 : vector<16xf32>
      %select_n3A_203 = arith.select %and3A_201, %max3A_202, %select_n3A_184 : vector<16xi1>, vector<16xf32>
      %sub3A_204 = vector.broadcast %mul3A_2 : i32 to vector<16xi32>
      %sub3A_205 = arith.subi %masked_sort3A_115, %sub3A_204 : vector<16xi32>
      %jit3A_206 = arith.constant 0 : i32
      %broadcast_in_dim3A_207 = vector.broadcast %jit3A_206 : i32 to vector<16xi32>
      %select_n3A_208 = arith.select %and3A, %sub3A_205, %broadcast_in_dim3A_207 : vector<16xi1>, vector<16xi32>
      %gather3A_209 = tpu.vector_load_idx %arg7[%select_n3A_208] masked %and3A : memref<31264xf32, #tpu.memory_space<vmem>>[vector<16xi32>], vector<16xf32>, vector<16xi1>
      %max3A_210 = arith.maximumf %gather3A_209, %select_n3A_203 : vector<16xf32>
      tpu.vector_store_idx %arg7[%select_n3A_208], %max3A_210 masked %and3A : memref<31264xf32, #tpu.memory_space<vmem>>[vector<16xi32>], vector<16xf32>, vector<16xi1>
    }
    %while3A_36 = arith.constant 1 : i32
    scf.for %while3A_93 = %while3A_34 to %while3A_30 step %while3A_36  : i32 {
      %mul3A_94 = arith.constant 16 : i32
      %mul3A_95 = arith.muli %while3A_93, %mul3A_94 : i32
      %get3A = arith.index_cast %mul3A_95 : i32 to index
      %get3A_96 = tpu.vector_load %arg8[%get3A] {strides = array<i32>} : memref<16384xi32, #tpu.memory_space<vmem>>, vector<16xi32>,
      %mul3A_97 = arith.constant 16 : i32
      %mul3A_98 = arith.muli %while3A_93, %mul3A_97 : i32
      %get3A_99 = arith.index_cast %mul3A_98 : i32 to index
      %get3A_100 = tpu.vector_load %arg9[%get3A_99] {strides = array<i32>} : memref<16384xf32, #tpu.memory_space<vmem>>, vector<16xf32>,
      %mul3A_101 = arith.constant 16 : i32
      %mul3A_102 = arith.muli %while3A_93, %mul3A_101 : i32
      %add3A_103 = vector.broadcast %mul3A_102 : i32 to vector<16xi32>
      %add3A_104 = arith.addi %add3A_103, %iota3A : vector<16xi32>
      %lt3A = vector.broadcast %parallel_loop3A_15 : i32 to vector<16xi32>
      %lt3A_105 = arith.cmpi slt, %add3A_104, %lt3A : vector<16xi32>
      %jit3A = arith.constant 2147483647 : i32
      %broadcast_in_dim3A = vector.broadcast %jit3A : i32 to vector<16xi32>
      %select_n3A = arith.select %lt3A_105, %get3A_96, %broadcast_in_dim3A : vector<16xi1>, vector<16xi32>
      %jit3A_106 = arith.constant 0xFF800000 : f32
      %broadcast_in_dim3A_107 = vector.broadcast %jit3A_106 : f32 to vector<16xf32>
      %select_n3A_108 = arith.select %lt3A_105, %get3A_100, %broadcast_in_dim3A_107 : vector<16xi1>, vector<16xf32>
      %masked_sort3A = arith.constant dense<true> : vector<16xi1>
      %masked_sort3A_109 = arith.constant -2147483648 : i32
      %masked_sort3A_110 = vector.broadcast %masked_sort3A_109 : i32 to vector<16xi32>
      %masked_sort3A_111 = arith.xori %select_n3A, %masked_sort3A_110 : vector<16xi32>
      %masked_sort3A_112, %masked_sort3A_113, %masked_sort3A_114 = tpu.sort %masked_sort3A_111, %select_n3A_108 masked %masked_sort3A : (vector<16xi32>, vector<16xf32>, vector<16xi1>) -> (vector<16xi1>, vector<16xi32>, vector<16xf32>)
      %masked_sort3A_115 = arith.xori %masked_sort3A_113, %masked_sort3A_110 : vector<16xi32>
      %add3A_116 = arith.constant 1 : i32
      %add3A_117 = vector.broadcast %add3A_116 : i32 to vector<16xi32>
      %add3A_118 = arith.addi %iota3A, %add3A_117 : vector<16xi32>
      %min3A_119 = arith.constant 15 : i32
      %min3A_120 = vector.broadcast %min3A_119 : i32 to vector<16xi32>
      %min3A_121 = arith.minsi %add3A_118, %min3A_120 : vector<16xi32>
      %broadcast_in_dim3A_122 = vector.shape_cast %min3A_121 : vector<16xi32> to vector<16x1xi32>
      %gather3A = vector.shape_cast %broadcast_in_dim3A_122 : vector<16x1xi32> to vector<16xi32>
      %gather3A_123 = tpu.dynamic_gather %masked_sort3A_115[%gather3A] in [0] : vector<16xi32>, vector<16xi32> -> vector<16xi32>
      %eq3A_124 = arith.constant 15 : i32
      %eq3A_125 = vector.broadcast %eq3A_124 : i32 to vector<16xi32>
      %eq3A_126 = arith.cmpi eq, %iota3A, %eq3A_125 : vector<16xi32>
      %ne3A = arith.cmpi ne, %masked_sort3A_115, %gather3A_123 : vector<16xi32>
      %or3A = arith.ori %eq3A_126, %ne3A : vector<16xi1>
      %ne3A_127 = arith.constant 2147483647 : i32
      %ne3A_128 = vector.broadcast %ne3A_127 : i32 to vector<16xi32>
      %ne3A_129 = arith.cmpi ne, %masked_sort3A_115, %ne3A_128 : vector<16xi32>
      %and3A = arith.andi %or3A, %ne3A_129 : vector<16xi1>
      %sub3A_130 = arith.constant 1 : i32
      %sub3A_131 = vector.broadcast %sub3A_130 : i32 to vector<16xi32>
      %sub3A_132 = arith.subi %iota3A, %sub3A_131 : vector<16xi32>
      %max3A = arith.constant 0 : i32
      %max3A_133 = vector.broadcast %max3A : i32 to vector<16xi32>
      %max3A_134 = arith.maxsi %sub3A_132, %max3A_133 : vector<16xi32>
      %broadcast_in_dim3A_135 = vector.shape_cast %max3A_134 : vector<16xi32> to vector<16x1xi32>
      %gather3A_136 = vector.shape_cast %broadcast_in_dim3A_135 : vector<16x1xi32> to vector<16xi32>
      %gather3A_137 = tpu.dynamic_gather %masked_sort3A_114[%gather3A_136] in [0] : vector<16xf32>, vector<16xi32> -> vector<16xf32>
      %broadcast_in_dim3A_138 = vector.shape_cast %max3A_134 : vector<16xi32> to vector<16x1xi32>
      %gather3A_139 = vector.shape_cast %broadcast_in_dim3A_138 : vector<16x1xi32> to vector<16xi32>
      %gather3A_140 = tpu.dynamic_gather %masked_sort3A_115[%gather3A_139] in [0] : vector<16xi32>, vector<16xi32> -> vector<16xi32>
      %ge3A = arith.constant 1 : i32
      %ge3A_141 = vector.broadcast %ge3A : i32 to vector<16xi32>
      %ge3A_142 = arith.cmpi sge, %iota3A, %ge3A_141 : vector<16xi32>
      %eq3A_143 = arith.cmpi eq, %gather3A_140, %masked_sort3A_115 : vector<16xi32>
      %and3A_144 = arith.andi %ge3A_142, %eq3A_143 : vector<16xi1>
      %max3A_145 = arith.maximumf %masked_sort3A_114, %gather3A_137 : vector<16xf32>
      %select_n3A_146 = arith.select %and3A_144, %max3A_145, %masked_sort3A_114 : vector<16xi1>, vector<16xf32>
      %sub3A_147 = arith.constant 2 : i32
      %sub3A_148 = vector.broadcast %sub3A_147 : i32 to vector<16xi32>
      %sub3A_149 = arith.subi %iota3A, %sub3A_148 : vector<16xi32>
      %max3A_150 = arith.constant 0 : i32
      %max3A_151 = vector.broadcast %max3A_150 : i32 to vector<16xi32>
      %max3A_152 = arith.maxsi %sub3A_149, %max3A_151 : vector<16xi32>
      %broadcast_in_dim3A_153 = vector.shape_cast %max3A_152 : vector<16xi32> to vector<16x1xi32>
      %gather3A_154 = vector.shape_cast %broadcast_in_dim3A_153 : vector<16x1xi32> to vector<16xi32>
      %gather3A_155 = tpu.dynamic_gather %select_n3A_146[%gather3A_154] in [0] : vector<16xf32>, vector<16xi32> -> vector<16xf32>
      %broadcast_in_dim3A_156 = vector.shape_cast %max3A_152 : vector<16xi32> to vector<16x1xi32>
      %gather3A_157 = vector.shape_cast %broadcast_in_dim3A_156 : vector<16x1xi32> to vector<16xi32>
      %gather3A_158 = tpu.dynamic_gather %masked_sort3A_115[%gather3A_157] in [0] : vector<16xi32>, vector<16xi32> -> vector<16xi32>
      %ge3A_159 = arith.constant 2 : i32
      %ge3A_160 = vector.broadcast %ge3A_159 : i32 to vector<16xi32>
      %ge3A_161 = arith.cmpi sge, %iota3A, %ge3A_160 : vector<16xi32>
      %eq3A_162 = arith.cmpi eq, %gather3A_158, %masked_sort3A_115 : vector<16xi32>
      %and3A_163 = arith.andi %ge3A_161, %eq3A_162 : vector<16xi1>
      %max3A_164 = arith.maximumf %select_n3A_146, %gather3A_155 : vector<16xf32>
      %select_n3A_165 = arith.select %and3A_163, %max3A_164, %select_n3A_146 : vector<16xi1>, vector<16xf32>
      %sub3A_166 = arith.constant 4 : i32
      %sub3A_167 = vector.broadcast %sub3A_166 : i32 to vector<16xi32>
      %sub3A_168 = arith.subi %iota3A, %sub3A_167 : vector<16xi32>
      %max3A_169 = arith.constant 0 : i32
      %max3A_170 = vector.broadcast %max3A_169 : i32 to vector<16xi32>
      %max3A_171 = arith.maxsi %sub3A_168, %max3A_170 : vector<16xi32>
      %broadcast_in_dim3A_172 = vector.shape_cast %max3A_171 : vector<16xi32> to vector<16x1xi32>
      %gather3A_173 = vector.shape_cast %broadcast_in_dim3A_172 : vector<16x1xi32> to vector<16xi32>
      %gather3A_174 = tpu.dynamic_gather %select_n3A_165[%gather3A_173] in [0] : vector<16xf32>, vector<16xi32> -> vector<16xf32>
      %broadcast_in_dim3A_175 = vector.shape_cast %max3A_171 : vector<16xi32> to vector<16x1xi32>
      %gather3A_176 = vector.shape_cast %broadcast_in_dim3A_175 : vector<16x1xi32> to vector<16xi32>
      %gather3A_177 = tpu.dynamic_gather %masked_sort3A_115[%gather3A_176] in [0] : vector<16xi32>, vector<16xi32> -> vector<16xi32>
      %ge3A_178 = arith.constant 4 : i32
      %ge3A_179 = vector.broadcast %ge3A_178 : i32 to vector<16xi32>
      %ge3A_180 = arith.cmpi sge, %iota3A, %ge3A_179 : vector<16xi32>
      %eq3A_181 = arith.cmpi eq, %gather3A_177, %masked_sort3A_115 : vector<16xi32>
      %and3A_182 = arith.andi %ge3A_180, %eq3A_181 : vector<16xi1>
      %max3A_183 = arith.maximumf %select_n3A_165, %gather3A_174 : vector<16xf32>
      %select_n3A_184 = arith.select %and3A_182, %max3A_183, %select_n3A_165 : vector<16xi1>, vector<16xf32>
      %sub3A_185 = arith.constant 8 : i32
      %sub3A_186 = vector.broadcast %sub3A_185 : i32 to vector<16xi32>
      %sub3A_187 = arith.subi %iota3A, %sub3A_186 : vector<16xi32>
      %max3A_188 = arith.constant 0 : i32
      %max3A_189 = vector.broadcast %max3A_188 : i32 to vector<16xi32>
      %max3A_190 = arith.maxsi %sub3A_187, %max3A_189 : vector<16xi32>
      %broadcast_in_dim3A_191 = vector.shape_cast %max3A_190 : vector<16xi32> to vector<16x1xi32>
      %gather3A_192 = vector.shape_cast %broadcast_in_dim3A_191 : vector<16x1xi32> to vector<16xi32>
      %gather3A_193 = tpu.dynamic_gather %select_n3A_184[%gather3A_192] in [0] : vector<16xf32>, vector<16xi32> -> vector<16xf32>
      %broadcast_in_dim3A_194 = vector.shape_cast %max3A_190 : vector<16xi32> to vector<16x1xi32>
      %gather3A_195 = vector.shape_cast %broadcast_in_dim3A_194 : vector<16x1xi32> to vector<16xi32>
      %gather3A_196 = tpu.dynamic_gather %masked_sort3A_115[%gather3A_195] in [0] : vector<16xi32>, vector<16xi32> -> vector<16xi32>
      %ge3A_197 = arith.constant 8 : i32
      %ge3A_198 = vector.broadcast %ge3A_197 : i32 to vector<16xi32>
      %ge3A_199 = arith.cmpi sge, %iota3A, %ge3A_198 : vector<16xi32>
      %eq3A_200 = arith.cmpi eq, %gather3A_196, %masked_sort3A_115 : vector<16xi32>
      %and3A_201 = arith.andi %ge3A_199, %eq3A_200 : vector<16xi1>
      %max3A_202 = arith.maximumf %select_n3A_184, %gather3A_193 : vector<16xf32>
      %select_n3A_203 = arith.select %and3A_201, %max3A_202, %select_n3A_184 : vector<16xi1>, vector<16xf32>
      %sub3A_204 = vector.broadcast %mul3A_2 : i32 to vector<16xi32>
      %sub3A_205 = arith.subi %masked_sort3A_115, %sub3A_204 : vector<16xi32>
      %jit3A_206 = arith.constant 0 : i32
      %broadcast_in_dim3A_207 = vector.broadcast %jit3A_206 : i32 to vector<16xi32>
      %select_n3A_208 = arith.select %and3A, %sub3A_205, %broadcast_in_dim3A_207 : vector<16xi1>, vector<16xi32>
      %gather3A_209 = tpu.vector_load_idx %arg7[%select_n3A_208] masked %and3A : memref<31264xf32, #tpu.memory_space<vmem>>[vector<16xi32>], vector<16xf32>, vector<16xi1>
      %max3A_210 = arith.maximumf %gather3A_209, %select_n3A_203 : vector<16xf32>
      tpu.vector_store_idx %arg7[%select_n3A_208], %max3A_210 masked %and3A : memref<31264xf32, #tpu.memory_space<vmem>>[vector<16xi32>], vector<16xf32>, vector<16xi1>
    }
    %not3A_37 = arith.constant true
    %not3A_38 = arith.xori %eq3A_3, %not3A_37 : i1
    %convert_element_type3A_39 = arith.extui %not3A_38 : i1 to i32
    %cond3A_40 = arith.constant 0 : i32
    %cond3A_41 = arith.cmpi ne, %convert_element_type3A_39, %cond3A_40 : i32
    scf.if %cond3A_41 {
      %dma_start3A = arith.constant 0 : i32
      %dma_start3A_93 = tpu.memref_slice %arg7[%dma_start3A] : memref<31264xf32, #tpu.memory_space<vmem>> -> memref<31264xf32, #tpu.memory_space<vmem>>
      %dma_start3A_94 = tpu.memref_slice %arg5[%mul3A_2] : memref<1000000xf32, #tpu.memory_space<hbm>> -> memref<31264xf32, #tpu.memory_space<hbm>>
      %dma_start3A_95 = tpu.memref_slice %arg5[%mul3A_2] : memref<1000000xf32, #tpu.memory_space<hbm>> -> memref<31264xf32, #tpu.memory_space<hbm>>
      %dma_start3A_96 = arith.constant 0 : i32
      %dma_start3A_97 = tpu.memref_slice %arg7[%dma_start3A_96] : memref<31264xf32, #tpu.memory_space<vmem>> -> memref<31264xf32, #tpu.memory_space<vmem>>
      tpu.enqueue_dma source(%dma_start3A_97 : memref<31264xf32, #tpu.memory_space<vmem>>) target(%dma_start3A_95 : memref<31264xf32, #tpu.memory_space<hbm>>) target_semaphore(%arg12 : memref<!tpu.dma_semaphore, #tpu.memory_space<semaphore_mem>>)
    } else {
    }
    %convert_element_type3A_42 = arith.extui %eq3A_3 : i1 to i32
    %cond3A_43 = arith.constant 0 : i32
    %cond3A_44 = arith.cmpi ne, %convert_element_type3A_42, %cond3A_43 : i32
    scf.if %cond3A_44 {
      %dma_start3A = arith.constant 0 : i32
      %dma_start3A_93 = tpu.memref_slice %arg7[%dma_start3A] : memref<31264xf32, #tpu.memory_space<vmem>> -> memref<30816xf32, #tpu.memory_space<vmem>>
      %dma_start3A_94 = tpu.memref_slice %arg5[%mul3A_2] : memref<1000000xf32, #tpu.memory_space<hbm>> -> memref<30816xf32, #tpu.memory_space<hbm>>
      %dma_start3A_95 = tpu.memref_slice %arg5[%mul3A_2] : memref<1000000xf32, #tpu.memory_space<hbm>> -> memref<30816xf32, #tpu.memory_space<hbm>>
      %dma_start3A_96 = arith.constant 0 : i32
      %dma_start3A_97 = tpu.memref_slice %arg7[%dma_start3A_96] : memref<31264xf32, #tpu.memory_space<vmem>> -> memref<30816xf32, #tpu.memory_space<vmem>>
      tpu.enqueue_dma source(%dma_start3A_97 : memref<30816xf32, #tpu.memory_space<vmem>>) target(%dma_start3A_95 : memref<30816xf32, #tpu.memory_space<hbm>>) target_semaphore(%arg12 : memref<!tpu.dma_semaphore, #tpu.memory_space<semaphore_mem>>)
    } else {
    }
    %while3A_45 = arith.constant 0 : i32
    %while3A_46 = arith.constant 0 : i32
    %while3A_47 = arith.subi %shift_right_arithmetic3A_27, %while3A_46 : i32
    %while3A_48 = arith.addi %while3A_46, %while3A_47 : i32
    %while3A_49 = arith.constant 1 : i32
    %while3A_50 = arith.divsi %while3A_47, %while3A_49 : i32
    %while3A_51 = arith.muli %while3A_50, %while3A_49 : i32
    %while3A_52 = arith.addi %while3A_46, %while3A_51 : i32
    %while3A_53 = arith.constant 1 : i32
    scf.for %while3A_93 = %while3A_46 to %while3A_52 step %while3A_53  : i32 {
      %mul3A_94 = arith.constant 16 : i32
      %mul3A_95 = arith.muli %while3A_93, %mul3A_94 : i32
      %get3A = arith.index_cast %mul3A_95 : i32 to index
      %get3A_96 = tpu.vector_load %arg8[%get3A] {strides = array<i32>} : memref<16384xi32, #tpu.memory_space<vmem>>, vector<16xi32>,
      %mul3A_97 = arith.constant 16 : i32
      %mul3A_98 = arith.muli %while3A_93, %mul3A_97 : i32
      %get3A_99 = arith.index_cast %mul3A_98 : i32 to index
      %get3A_100 = tpu.vector_load %arg9[%get3A_99] {strides = array<i32>} : memref<16384xf32, #tpu.memory_space<vmem>>, vector<16xf32>,
      %mul3A_101 = arith.constant 16 : i32
      %mul3A_102 = arith.muli %while3A_93, %mul3A_101 : i32
      %add3A_103 = vector.broadcast %mul3A_102 : i32 to vector<16xi32>
      %add3A_104 = arith.addi %add3A_103, %iota3A : vector<16xi32>
      %lt3A = vector.broadcast %parallel_loop3A_15 : i32 to vector<16xi32>
      %lt3A_105 = arith.cmpi slt, %add3A_104, %lt3A : vector<16xi32>
      %sub3A_106 = vector.broadcast %mul3A_2 : i32 to vector<16xi32>
      %sub3A_107 = arith.subi %get3A_96, %sub3A_106 : vector<16xi32>
      %jit3A = arith.constant 0 : i32
      %broadcast_in_dim3A = vector.broadcast %jit3A : i32 to vector<16xi32>
      %select_n3A = arith.select %lt3A_105, %sub3A_107, %broadcast_in_dim3A : vector<16xi1>, vector<16xi32>
      %gather3A = tpu.vector_load_idx %arg7[%select_n3A] masked %lt3A_105 : memref<31264xf32, #tpu.memory_space<vmem>>[vector<16xi32>], vector<16xf32>, vector<16xi1>
      %abs3A = math.absf %gather3A : vector<16xf32>
      %eq3A_108 = arith.constant 0x7F800000 : f32
      %eq3A_109 = vector.broadcast %eq3A_108 : f32 to vector<16xf32>
      %eq3A_110 = arith.cmpf oeq, %abs3A, %eq3A_109 : vector<16xf32>
      %select_n3A_111 = arith.select %eq3A_110, %get3A_100, %gather3A : vector<16xi1>, vector<16xf32>
      %sub3A_112 = arith.subf %get3A_100, %select_n3A_111 : vector<16xf32>
      %mul3A_113 = arith.constant 16 : i32
      %mul3A_114 = arith.muli %while3A_93, %mul3A_113 : i32
      %swap3A = arith.index_cast %mul3A_114 : i32 to index
      %swap3A_115 = tpu.vector_load %arg11[%swap3A] {strides = array<i32>} : memref<16384xf32, #tpu.memory_space<vmem>>, vector<16xf32>,
      tpu.vector_store %arg11[%swap3A], %sub3A_112 {strides = array<i32>} : memref<16384xf32, #tpu.memory_space<vmem>>, vector<16xf32>,
    }
    %while3A_54 = arith.constant 1 : i32
    scf.for %while3A_93 = %while3A_52 to %while3A_48 step %while3A_54  : i32 {
      %mul3A_94 = arith.constant 16 : i32
      %mul3A_95 = arith.muli %while3A_93, %mul3A_94 : i32
      %get3A = arith.index_cast %mul3A_95 : i32 to index
      %get3A_96 = tpu.vector_load %arg8[%get3A] {strides = array<i32>} : memref<16384xi32, #tpu.memory_space<vmem>>, vector<16xi32>,
      %mul3A_97 = arith.constant 16 : i32
      %mul3A_98 = arith.muli %while3A_93, %mul3A_97 : i32
      %get3A_99 = arith.index_cast %mul3A_98 : i32 to index
      %get3A_100 = tpu.vector_load %arg9[%get3A_99] {strides = array<i32>} : memref<16384xf32, #tpu.memory_space<vmem>>, vector<16xf32>,
      %mul3A_101 = arith.constant 16 : i32
      %mul3A_102 = arith.muli %while3A_93, %mul3A_101 : i32
      %add3A_103 = vector.broadcast %mul3A_102 : i32 to vector<16xi32>
      %add3A_104 = arith.addi %add3A_103, %iota3A : vector<16xi32>
      %lt3A = vector.broadcast %parallel_loop3A_15 : i32 to vector<16xi32>
      %lt3A_105 = arith.cmpi slt, %add3A_104, %lt3A : vector<16xi32>
      %sub3A_106 = vector.broadcast %mul3A_2 : i32 to vector<16xi32>
      %sub3A_107 = arith.subi %get3A_96, %sub3A_106 : vector<16xi32>
      %jit3A = arith.constant 0 : i32
      %broadcast_in_dim3A = vector.broadcast %jit3A : i32 to vector<16xi32>
      %select_n3A = arith.select %lt3A_105, %sub3A_107, %broadcast_in_dim3A : vector<16xi1>, vector<16xi32>
      %gather3A = tpu.vector_load_idx %arg7[%select_n3A] masked %lt3A_105 : memref<31264xf32, #tpu.memory_space<vmem>>[vector<16xi32>], vector<16xf32>, vector<16xi1>
      %abs3A = math.absf %gather3A : vector<16xf32>
      %eq3A_108 = arith.constant 0x7F800000 : f32
      %eq3A_109 = vector.broadcast %eq3A_108 : f32 to vector<16xf32>
      %eq3A_110 = arith.cmpf oeq, %abs3A, %eq3A_109 : vector<16xf32>
      %select_n3A_111 = arith.select %eq3A_110, %get3A_100, %gather3A : vector<16xi1>, vector<16xf32>
      %sub3A_112 = arith.subf %get3A_100, %select_n3A_111 : vector<16xf32>
      %mul3A_113 = arith.constant 16 : i32
      %mul3A_114 = arith.muli %while3A_93, %mul3A_113 : i32
      %swap3A = arith.index_cast %mul3A_114 : i32 to index
      %swap3A_115 = tpu.vector_load %arg11[%swap3A] {strides = array<i32>} : memref<16384xf32, #tpu.memory_space<vmem>>, vector<16xf32>,
      tpu.vector_store %arg11[%swap3A], %sub3A_112 {strides = array<i32>} : memref<16384xf32, #tpu.memory_space<vmem>>, vector<16xf32>,
    }
    %add3A_55 = arith.constant 128 : i32
    %add3A_56 = arith.addi %parallel_loop3A_15, %add3A_55 : i32
    %sub3A_57 = arith.constant 1 : i32
    %sub3A_58 = arith.subi %add3A_56, %sub3A_57 : i32
    %shift_right_arithmetic3A_59 = arith.constant 7 : i32
    %shift_right_arithmetic3A_60 = arith.shrsi %sub3A_58, %shift_right_arithmetic3A_59 : i32
    %gt3A = arith.constant 0 : i32
    %gt3A_61 = arith.cmpi sgt, %parallel_loop3A_15, %gt3A : i32
    %convert_element_type3A_62 = arith.extui %gt3A_61 : i1 to i32
    %cond3A_63 = arith.constant 0 : i32
    %cond3A_64 = arith.cmpi ne, %convert_element_type3A_62, %cond3A_63 : i32
    scf.if %cond3A_64 {
      %mul3A_93 = arith.constant 0 : i32
      %mul3A_94 = vector.broadcast %mul3A_93 : i32 to vector<16xi32>
      %mul3A_95 = arith.muli %iota3A, %mul3A_94 : vector<16xi32>
      %get3A = arith.constant 0 : i32
      %get3A_96 = arith.index_cast %get3A : i32 to index
      %get3A_97 = arith.constant 0 : index
      %get3A_98 = tpu.vector_load %arg10[%get3A_96, %get3A_97] {strides = array<i32>} : memref<128x128xi32, #tpu.memory_space<vmem>>, vector<16xi32>,
      %broadcast_in_dim3A = vector.shape_cast %mul3A_95 : vector<16xi32> to vector<16x1xi32>
      %gather3A = vector.shape_cast %broadcast_in_dim3A : vector<16x1xi32> to vector<16xi32>
      %gather3A_99 = tpu.dynamic_gather %get3A_98[%gather3A] in [0] : vector<16xi32>, vector<16xi32> -> vector<16xi32>
      %get3A_100 = arith.constant 0 : index
      %get3A_101 = tpu.vector_load %arg11[%get3A_100] {strides = array<i32>} : memref<16384xf32, #tpu.memory_space<vmem>>, vector<16xf32>,
      %broadcast_in_dim3A_102 = vector.shape_cast %mul3A_95 : vector<16xi32> to vector<16x1xi32>
      %gather3A_103 = vector.shape_cast %broadcast_in_dim3A_102 : vector<16x1xi32> to vector<16xi32>
      %gather3A_104 = tpu.dynamic_gather %get3A_101[%gather3A_103] in [0] : vector<16xf32>, vector<16xi32> -> vector<16xf32>
      %shift_left3A = arith.constant 7 : i32
      %shift_left3A_105 = arith.shli %shift_right_arithmetic3A_60, %shift_left3A : i32
      %add3A_106 = arith.constant 0 : i32
      %add3A_107 = arith.addi %parallel_loop3A_15, %add3A_106 : i32
      %add3A_108 = vector.broadcast %add3A_107 : i32 to vector<16xi32>
      %add3A_109 = arith.addi %add3A_108, %iota3A : vector<16xi32>
      %lt3A = vector.broadcast %shift_left3A_105 : i32 to vector<16xi32>
      %lt3A_110 = arith.cmpi slt, %add3A_109, %lt3A : vector<16xi32>
      %add3A_111 = vector.broadcast %add3A_107 : i32 to vector<16xi32>
      %add3A_112 = arith.addi %add3A_111, %iota3A : vector<16xi32>
      %shift_right_arithmetic3A_113 = arith.constant 7 : i32
      %shift_right_arithmetic3A_114 = vector.broadcast %shift_right_arithmetic3A_113 : i32 to vector<16xi32>
      %shift_right_arithmetic3A_115 = arith.shrsi %add3A_112, %shift_right_arithmetic3A_114 : vector<16xi32>
      %add3A_116 = vector.broadcast %add3A_107 : i32 to vector<16xi32>
      %add3A_117 = arith.addi %add3A_116, %iota3A : vector<16xi32>
      %and3A = arith.constant 127 : i32
      %and3A_118 = vector.broadcast %and3A : i32 to vector<16xi32>
      %and3A_119 = arith.andi %add3A_117, %and3A_118 : vector<16xi32>
      tpu.vector_store_idx %arg10[%shift_right_arithmetic3A_115, %and3A_119], %gather3A_99 masked %lt3A_110 : memref<128x128xi32, #tpu.memory_space<vmem>>[vector<16xi32>, vector<16xi32>], vector<16xi32>, vector<16xi1>
      %add3A_120 = vector.broadcast %add3A_107 : i32 to vector<16xi32>
      %add3A_121 = arith.addi %add3A_120, %iota3A : vector<16xi32>
      tpu.vector_store_idx %arg11[%add3A_121], %gather3A_104 masked %lt3A_110 : memref<16384xf32, #tpu.memory_space<vmem>>[vector<16xi32>], vector<16xf32>, vector<16xi1>
      %add3A_122 = arith.constant 16 : i32
      %add3A_123 = arith.addi %parallel_loop3A_15, %add3A_122 : i32
      %add3A_124 = vector.broadcast %add3A_123 : i32 to vector<16xi32>
      %add3A_125 = arith.addi %add3A_124, %iota3A : vector<16xi32>
      %lt3A_126 = vector.broadcast %shift_left3A_105 : i32 to vector<16xi32>
      %lt3A_127 = arith.cmpi slt, %add3A_125, %lt3A_126 : vector<16xi32>
      %add3A_128 = vector.broadcast %add3A_123 : i32 to vector<16xi32>
      %add3A_129 = arith.addi %add3A_128, %iota3A : vector<16xi32>
      %shift_right_arithmetic3A_130 = arith.constant 7 : i32
      %shift_right_arithmetic3A_131 = vector.broadcast %shift_right_arithmetic3A_130 : i32 to vector<16xi32>
      %shift_right_arithmetic3A_132 = arith.shrsi %add3A_129, %shift_right_arithmetic3A_131 : vector<16xi32>
      %add3A_133 = vector.broadcast %add3A_123 : i32 to vector<16xi32>
      %add3A_134 = arith.addi %add3A_133, %iota3A : vector<16xi32>
      %and3A_135 = arith.constant 127 : i32
      %and3A_136 = vector.broadcast %and3A_135 : i32 to vector<16xi32>
      %and3A_137 = arith.andi %add3A_134, %and3A_136 : vector<16xi32>
      tpu.vector_store_idx %arg10[%shift_right_arithmetic3A_132, %and3A_137], %gather3A_99 masked %lt3A_127 : memref<128x128xi32, #tpu.memory_space<vmem>>[vector<16xi32>, vector<16xi32>], vector<16xi32>, vector<16xi1>
      %add3A_138 = vector.broadcast %add3A_123 : i32 to vector<16xi32>
      %add3A_139 = arith.addi %add3A_138, %iota3A : vector<16xi32>
      tpu.vector_store_idx %arg11[%add3A_139], %gather3A_104 masked %lt3A_127 : memref<16384xf32, #tpu.memory_space<vmem>>[vector<16xi32>], vector<16xf32>, vector<16xi1>
      %add3A_140 = arith.constant 32 : i32
      %add3A_141 = arith.addi %parallel_loop3A_15, %add3A_140 : i32
      %add3A_142 = vector.broadcast %add3A_141 : i32 to vector<16xi32>
      %add3A_143 = arith.addi %add3A_142, %iota3A : vector<16xi32>
      %lt3A_144 = vector.broadcast %shift_left3A_105 : i32 to vector<16xi32>
      %lt3A_145 = arith.cmpi slt, %add3A_143, %lt3A_144 : vector<16xi32>
      %add3A_146 = vector.broadcast %add3A_141 : i32 to vector<16xi32>
      %add3A_147 = arith.addi %add3A_146, %iota3A : vector<16xi32>
      %shift_right_arithmetic3A_148 = arith.constant 7 : i32
      %shift_right_arithmetic3A_149 = vector.broadcast %shift_right_arithmetic3A_148 : i32 to vector<16xi32>
      %shift_right_arithmetic3A_150 = arith.shrsi %add3A_147, %shift_right_arithmetic3A_149 : vector<16xi32>
      %add3A_151 = vector.broadcast %add3A_141 : i32 to vector<16xi32>
      %add3A_152 = arith.addi %add3A_151, %iota3A : vector<16xi32>
      %and3A_153 = arith.constant 127 : i32
      %and3A_154 = vector.broadcast %and3A_153 : i32 to vector<16xi32>
      %and3A_155 = arith.andi %add3A_152, %and3A_154 : vector<16xi32>
      tpu.vector_store_idx %arg10[%shift_right_arithmetic3A_150, %and3A_155], %gather3A_99 masked %lt3A_145 : memref<128x128xi32, #tpu.memory_space<vmem>>[vector<16xi32>, vector<16xi32>], vector<16xi32>, vector<16xi1>
      %add3A_156 = vector.broadcast %add3A_141 : i32 to vector<16xi32>
      %add3A_157 = arith.addi %add3A_156, %iota3A : vector<16xi32>
      tpu.vector_store_idx %arg11[%add3A_157], %gather3A_104 masked %lt3A_145 : memref<16384xf32, #tpu.memory_space<vmem>>[vector<16xi32>], vector<16xf32>, vector<16xi1>
      %add3A_158 = arith.constant 48 : i32
      %add3A_159 = arith.addi %parallel_loop3A_15, %add3A_158 : i32
      %add3A_160 = vector.broadcast %add3A_159 : i32 to vector<16xi32>
      %add3A_161 = arith.addi %add3A_160, %iota3A : vector<16xi32>
      %lt3A_162 = vector.broadcast %shift_left3A_105 : i32 to vector<16xi32>
      %lt3A_163 = arith.cmpi slt, %add3A_161, %lt3A_162 : vector<16xi32>
      %add3A_164 = vector.broadcast %add3A_159 : i32 to vector<16xi32>
      %add3A_165 = arith.addi %add3A_164, %iota3A : vector<16xi32>
      %shift_right_arithmetic3A_166 = arith.constant 7 : i32
      %shift_right_arithmetic3A_167 = vector.broadcast %shift_right_arithmetic3A_166 : i32 to vector<16xi32>
      %shift_right_arithmetic3A_168 = arith.shrsi %add3A_165, %shift_right_arithmetic3A_167 : vector<16xi32>
      %add3A_169 = vector.broadcast %add3A_159 : i32 to vector<16xi32>
      %add3A_170 = arith.addi %add3A_169, %iota3A : vector<16xi32>
      %and3A_171 = arith.constant 127 : i32
      %and3A_172 = vector.broadcast %and3A_171 : i32 to vector<16xi32>
      %and3A_173 = arith.andi %add3A_170, %and3A_172 : vector<16xi32>
      tpu.vector_store_idx %arg10[%shift_right_arithmetic3A_168, %and3A_173], %gather3A_99 masked %lt3A_163 : memref<128x128xi32, #tpu.memory_space<vmem>>[vector<16xi32>, vector<16xi32>], vector<16xi32>, vector<16xi1>
      %add3A_174 = vector.broadcast %add3A_159 : i32 to vector<16xi32>
      %add3A_175 = arith.addi %add3A_174, %iota3A : vector<16xi32>
      tpu.vector_store_idx %arg11[%add3A_175], %gather3A_104 masked %lt3A_163 : memref<16384xf32, #tpu.memory_space<vmem>>[vector<16xi32>], vector<16xf32>, vector<16xi1>
      %add3A_176 = arith.constant 64 : i32
      %add3A_177 = arith.addi %parallel_loop3A_15, %add3A_176 : i32
      %add3A_178 = vector.broadcast %add3A_177 : i32 to vector<16xi32>
      %add3A_179 = arith.addi %add3A_178, %iota3A : vector<16xi32>
      %lt3A_180 = vector.broadcast %shift_left3A_105 : i32 to vector<16xi32>
      %lt3A_181 = arith.cmpi slt, %add3A_179, %lt3A_180 : vector<16xi32>
      %add3A_182 = vector.broadcast %add3A_177 : i32 to vector<16xi32>
      %add3A_183 = arith.addi %add3A_182, %iota3A : vector<16xi32>
      %shift_right_arithmetic3A_184 = arith.constant 7 : i32
      %shift_right_arithmetic3A_185 = vector.broadcast %shift_right_arithmetic3A_184 : i32 to vector<16xi32>
      %shift_right_arithmetic3A_186 = arith.shrsi %add3A_183, %shift_right_arithmetic3A_185 : vector<16xi32>
      %add3A_187 = vector.broadcast %add3A_177 : i32 to vector<16xi32>
      %add3A_188 = arith.addi %add3A_187, %iota3A : vector<16xi32>
      %and3A_189 = arith.constant 127 : i32
      %and3A_190 = vector.broadcast %and3A_189 : i32 to vector<16xi32>
      %and3A_191 = arith.andi %add3A_188, %and3A_190 : vector<16xi32>
      tpu.vector_store_idx %arg10[%shift_right_arithmetic3A_186, %and3A_191], %gather3A_99 masked %lt3A_181 : memref<128x128xi32, #tpu.memory_space<vmem>>[vector<16xi32>, vector<16xi32>], vector<16xi32>, vector<16xi1>
      %add3A_192 = vector.broadcast %add3A_177 : i32 to vector<16xi32>
      %add3A_193 = arith.addi %add3A_192, %iota3A : vector<16xi32>
      tpu.vector_store_idx %arg11[%add3A_193], %gather3A_104 masked %lt3A_181 : memref<16384xf32, #tpu.memory_space<vmem>>[vector<16xi32>], vector<16xf32>, vector<16xi1>
      %add3A_194 = arith.constant 80 : i32
      %add3A_195 = arith.addi %parallel_loop3A_15, %add3A_194 : i32
      %add3A_196 = vector.broadcast %add3A_195 : i32 to vector<16xi32>
      %add3A_197 = arith.addi %add3A_196, %iota3A : vector<16xi32>
      %lt3A_198 = vector.broadcast %shift_left3A_105 : i32 to vector<16xi32>
      %lt3A_199 = arith.cmpi slt, %add3A_197, %lt3A_198 : vector<16xi32>
      %add3A_200 = vector.broadcast %add3A_195 : i32 to vector<16xi32>
      %add3A_201 = arith.addi %add3A_200, %iota3A : vector<16xi32>
      %shift_right_arithmetic3A_202 = arith.constant 7 : i32
      %shift_right_arithmetic3A_203 = vector.broadcast %shift_right_arithmetic3A_202 : i32 to vector<16xi32>
      %shift_right_arithmetic3A_204 = arith.shrsi %add3A_201, %shift_right_arithmetic3A_203 : vector<16xi32>
      %add3A_205 = vector.broadcast %add3A_195 : i32 to vector<16xi32>
      %add3A_206 = arith.addi %add3A_205, %iota3A : vector<16xi32>
      %and3A_207 = arith.constant 127 : i32
      %and3A_208 = vector.broadcast %and3A_207 : i32 to vector<16xi32>
      %and3A_209 = arith.andi %add3A_206, %and3A_208 : vector<16xi32>
      tpu.vector_store_idx %arg10[%shift_right_arithmetic3A_204, %and3A_209], %gather3A_99 masked %lt3A_199 : memref<128x128xi32, #tpu.memory_space<vmem>>[vector<16xi32>, vector<16xi32>], vector<16xi32>, vector<16xi1>
      %add3A_210 = vector.broadcast %add3A_195 : i32 to vector<16xi32>
      %add3A_211 = arith.addi %add3A_210, %iota3A : vector<16xi32>
      tpu.vector_store_idx %arg11[%add3A_211], %gather3A_104 masked %lt3A_199 : memref<16384xf32, #tpu.memory_space<vmem>>[vector<16xi32>], vector<16xf32>, vector<16xi1>
      %add3A_212 = arith.constant 96 : i32
      %add3A_213 = arith.addi %parallel_loop3A_15, %add3A_212 : i32
      %add3A_214 = vector.broadcast %add3A_213 : i32 to vector<16xi32>
      %add3A_215 = arith.addi %add3A_214, %iota3A : vector<16xi32>
      %lt3A_216 = vector.broadcast %shift_left3A_105 : i32 to vector<16xi32>
      %lt3A_217 = arith.cmpi slt, %add3A_215, %lt3A_216 : vector<16xi32>
      %add3A_218 = vector.broadcast %add3A_213 : i32 to vector<16xi32>
      %add3A_219 = arith.addi %add3A_218, %iota3A : vector<16xi32>
      %shift_right_arithmetic3A_220 = arith.constant 7 : i32
      %shift_right_arithmetic3A_221 = vector.broadcast %shift_right_arithmetic3A_220 : i32 to vector<16xi32>
      %shift_right_arithmetic3A_222 = arith.shrsi %add3A_219, %shift_right_arithmetic3A_221 : vector<16xi32>
      %add3A_223 = vector.broadcast %add3A_213 : i32 to vector<16xi32>
      %add3A_224 = arith.addi %add3A_223, %iota3A : vector<16xi32>
      %and3A_225 = arith.constant 127 : i32
      %and3A_226 = vector.broadcast %and3A_225 : i32 to vector<16xi32>
      %and3A_227 = arith.andi %add3A_224, %and3A_226 : vector<16xi32>
      tpu.vector_store_idx %arg10[%shift_right_arithmetic3A_222, %and3A_227], %gather3A_99 masked %lt3A_217 : memref<128x128xi32, #tpu.memory_space<vmem>>[vector<16xi32>, vector<16xi32>], vector<16xi32>, vector<16xi1>
      %add3A_228 = vector.broadcast %add3A_213 : i32 to vector<16xi32>
      %add3A_229 = arith.addi %add3A_228, %iota3A : vector<16xi32>
      tpu.vector_store_idx %arg11[%add3A_229], %gather3A_104 masked %lt3A_217 : memref<16384xf32, #tpu.memory_space<vmem>>[vector<16xi32>], vector<16xf32>, vector<16xi1>
      %add3A_230 = arith.constant 112 : i32
      %add3A_231 = arith.addi %parallel_loop3A_15, %add3A_230 : i32
      %add3A_232 = vector.broadcast %add3A_231 : i32 to vector<16xi32>
      %add3A_233 = arith.addi %add3A_232, %iota3A : vector<16xi32>
      %lt3A_234 = vector.broadcast %shift_left3A_105 : i32 to vector<16xi32>
      %lt3A_235 = arith.cmpi slt, %add3A_233, %lt3A_234 : vector<16xi32>
      %add3A_236 = vector.broadcast %add3A_231 : i32 to vector<16xi32>
      %add3A_237 = arith.addi %add3A_236, %iota3A : vector<16xi32>
      %shift_right_arithmetic3A_238 = arith.constant 7 : i32
      %shift_right_arithmetic3A_239 = vector.broadcast %shift_right_arithmetic3A_238 : i32 to vector<16xi32>
      %shift_right_arithmetic3A_240 = arith.shrsi %add3A_237, %shift_right_arithmetic3A_239 : vector<16xi32>
      %add3A_241 = vector.broadcast %add3A_231 : i32 to vector<16xi32>
      %add3A_242 = arith.addi %add3A_241, %iota3A : vector<16xi32>
      %and3A_243 = arith.constant 127 : i32
      %and3A_244 = vector.broadcast %and3A_243 : i32 to vector<16xi32>
      %and3A_245 = arith.andi %add3A_242, %and3A_244 : vector<16xi32>
      tpu.vector_store_idx %arg10[%shift_right_arithmetic3A_240, %and3A_245], %gather3A_99 masked %lt3A_235 : memref<128x128xi32, #tpu.memory_space<vmem>>[vector<16xi32>, vector<16xi32>], vector<16xi32>, vector<16xi1>
      %add3A_246 = vector.broadcast %add3A_231 : i32 to vector<16xi32>
      %add3A_247 = arith.addi %add3A_246, %iota3A : vector<16xi32>
      tpu.vector_store_idx %arg11[%add3A_247], %gather3A_104 masked %lt3A_235 : memref<16384xf32, #tpu.memory_space<vmem>>[vector<16xi32>], vector<16xf32>, vector<16xi1>
    } else {
    }
    %while3A_65 = arith.constant 0 : i32
    %while3A_66 = arith.constant 0 : i32
    %while3A_67 = arith.subi %shift_right_arithmetic3A_60, %while3A_66 : i32
    %while3A_68 = arith.addi %while3A_66, %while3A_67 : i32
    %while3A_69 = arith.constant 1 : i32
    %while3A_70 = arith.divsi %while3A_67, %while3A_69 : i32
    %while3A_71 = arith.muli %while3A_70, %while3A_69 : i32
    %while3A_72 = arith.addi %while3A_66, %while3A_71 : i32
    %while3A_73 = arith.constant 1 : i32
    scf.for %while3A_93 = %while3A_66 to %while3A_72 step %while3A_73  : i32 {
      %mul3A_94 = arith.constant 128 : i32
      %mul3A_95 = arith.muli %while3A_93, %mul3A_94 : i32
      %dma_start3A = tpu.memref_slice %arg11[%mul3A_95] : memref<16384xf32, #tpu.memory_space<vmem>> -> memref<128xf32, #tpu.memory_space<vmem>>
      %dma_start3A_96 = arith.constant 0 : i32
      %dma_start3A_97 = tpu.memref_slice %arg10[%while3A_93, %dma_start3A_96] : memref<128x128xi32, #tpu.memory_space<vmem>> -> memref<1x128xi32, #tpu.memory_space<vmem>>
      %dma_start3A_98 = tpu.memref_squeeze %dma_start3A_97 : memref<1x128xi32, #tpu.memory_space<vmem>> -> memref<128xi32, #tpu.memory_space<vmem>>
      %dma_start3A_99 = arith.constant 0 : i32
      %dma_start3A_100 = tpu.memref_slice %arg6[%dma_start3A_99] : memref<16384xf32, #tpu.memory_space<hbm>> -> memref<16384xf32, #tpu.memory_space<hbm>>
      tpu.enqueue_indirect_dma source(%dma_start3A : memref<128xf32, #tpu.memory_space<vmem>>) target(%dma_start3A_100 : memref<16384xf32, #tpu.memory_space<hbm>>) offsets(%dma_start3A_98 : memref<128xi32, #tpu.memory_space<vmem>>) semaphore(%arg13 : memref<!tpu.dma_semaphore, #tpu.memory_space<semaphore_mem>>)
    }
    %while3A_74 = arith.constant 1 : i32
    scf.for %while3A_93 = %while3A_72 to %while3A_68 step %while3A_74  : i32 {
      %mul3A_94 = arith.constant 128 : i32
      %mul3A_95 = arith.muli %while3A_93, %mul3A_94 : i32
      %dma_start3A = tpu.memref_slice %arg11[%mul3A_95] : memref<16384xf32, #tpu.memory_space<vmem>> -> memref<128xf32, #tpu.memory_space<vmem>>
      %dma_start3A_96 = arith.constant 0 : i32
      %dma_start3A_97 = tpu.memref_slice %arg10[%while3A_93, %dma_start3A_96] : memref<128x128xi32, #tpu.memory_space<vmem>> -> memref<1x128xi32, #tpu.memory_space<vmem>>
      %dma_start3A_98 = tpu.memref_squeeze %dma_start3A_97 : memref<1x128xi32, #tpu.memory_space<vmem>> -> memref<128xi32, #tpu.memory_space<vmem>>
      %dma_start3A_99 = arith.constant 0 : i32
      %dma_start3A_100 = tpu.memref_slice %arg6[%dma_start3A_99] : memref<16384xf32, #tpu.memory_space<hbm>> -> memref<16384xf32, #tpu.memory_space<hbm>>
      tpu.enqueue_indirect_dma source(%dma_start3A : memref<128xf32, #tpu.memory_space<vmem>>) target(%dma_start3A_100 : memref<16384xf32, #tpu.memory_space<hbm>>) offsets(%dma_start3A_98 : memref<128xi32, #tpu.memory_space<vmem>>) semaphore(%arg13 : memref<!tpu.dma_semaphore, #tpu.memory_space<semaphore_mem>>)
    }
    %while3A_75 = arith.constant 0 : i32
    %while3A_76 = arith.constant 0 : i32
    %while3A_77 = arith.subi %shift_right_arithmetic3A_60, %while3A_76 : i32
    %while3A_78 = arith.addi %while3A_76, %while3A_77 : i32
    %while3A_79 = arith.constant 1 : i32
    %while3A_80 = arith.divsi %while3A_77, %while3A_79 : i32
    %while3A_81 = arith.muli %while3A_80, %while3A_79 : i32
    %while3A_82 = arith.addi %while3A_76, %while3A_81 : i32
    %while3A_83 = arith.constant 1 : i32
    scf.for %while3A_93 = %while3A_76 to %while3A_82 step %while3A_83  : i32 {
      %dma_wait3A = arith.constant 0 : i32
      %dma_wait3A_94 = tpu.memref_slice %arg11[%dma_wait3A] : memref<16384xf32, #tpu.memory_space<vmem>> -> memref<128xf32, #tpu.memory_space<vmem>>
      %dma_wait3A_95 = arith.constant 0 : i32
      %dma_wait3A_96 = tpu.memref_slice %arg2[%dma_wait3A_95] : memref<1000000xf32, #tpu.memory_space<hbm>> -> memref<128xf32, #tpu.memory_space<hbm>>
      %dma_wait3A_97 = arith.constant 0 : i32
      %dma_wait3A_98 = tpu.memref_slice %arg11[%dma_wait3A_97] : memref<16384xf32, #tpu.memory_space<vmem>> -> memref<128xf32, #tpu.memory_space<vmem>>
      %dma_wait3A_99 = arith.constant 0 : i32
      %dma_wait3A_100 = tpu.memref_slice %arg2[%dma_wait3A_99] : memref<1000000xf32, #tpu.memory_space<hbm>> -> memref<128xf32, #tpu.memory_space<hbm>>
      tpu.wait_dma2 semaphore(%arg13 : memref<!tpu.dma_semaphore, #tpu.memory_space<semaphore_mem>>) src(%dma_wait3A_100 : memref<128xf32, #tpu.memory_space<hbm>>) dst(%dma_wait3A_98 : memref<128xf32, #tpu.memory_space<vmem>>)
    }
    %while3A_84 = arith.constant 1 : i32
    scf.for %while3A_93 = %while3A_82 to %while3A_78 step %while3A_84  : i32 {
      %dma_wait3A = arith.constant 0 : i32
      %dma_wait3A_94 = tpu.memref_slice %arg11[%dma_wait3A] : memref<16384xf32, #tpu.memory_space<vmem>> -> memref<128xf32, #tpu.memory_space<vmem>>
      %dma_wait3A_95 = arith.constant 0 : i32
      %dma_wait3A_96 = tpu.memref_slice %arg2[%dma_wait3A_95] : memref<1000000xf32, #tpu.memory_space<hbm>> -> memref<128xf32, #tpu.memory_space<hbm>>
      %dma_wait3A_97 = arith.constant 0 : i32
      %dma_wait3A_98 = tpu.memref_slice %arg11[%dma_wait3A_97] : memref<16384xf32, #tpu.memory_space<vmem>> -> memref<128xf32, #tpu.memory_space<vmem>>
      %dma_wait3A_99 = arith.constant 0 : i32
      %dma_wait3A_100 = tpu.memref_slice %arg2[%dma_wait3A_99] : memref<1000000xf32, #tpu.memory_space<hbm>> -> memref<128xf32, #tpu.memory_space<hbm>>
      tpu.wait_dma2 semaphore(%arg13 : memref<!tpu.dma_semaphore, #tpu.memory_space<semaphore_mem>>) src(%dma_wait3A_100 : memref<128xf32, #tpu.memory_space<hbm>>) dst(%dma_wait3A_98 : memref<128xf32, #tpu.memory_space<vmem>>)
    }
    %not3A_85 = arith.constant true
    %not3A_86 = arith.xori %eq3A_3, %not3A_85 : i1
    %convert_element_type3A_87 = arith.extui %not3A_86 : i1 to i32
    %cond3A_88 = arith.constant 0 : i32
    %cond3A_89 = arith.cmpi ne, %convert_element_type3A_87, %cond3A_88 : i32
    scf.if %cond3A_89 {
      %dma_wait3A = arith.constant 0 : i32
      %dma_wait3A_93 = tpu.memref_slice %arg7[%dma_wait3A] : memref<31264xf32, #tpu.memory_space<vmem>> -> memref<31264xf32, #tpu.memory_space<vmem>>
      %dma_wait3A_94 = tpu.memref_slice %arg5[%mul3A_2] : memref<1000000xf32, #tpu.memory_space<hbm>> -> memref<31264xf32, #tpu.memory_space<hbm>>
      %dma_wait3A_95 = tpu.memref_slice %arg5[%mul3A_2] : memref<1000000xf32, #tpu.memory_space<hbm>> -> memref<31264xf32, #tpu.memory_space<hbm>>
      %dma_wait3A_96 = arith.constant 0 : i32
      %dma_wait3A_97 = tpu.memref_slice %arg7[%dma_wait3A_96] : memref<31264xf32, #tpu.memory_space<vmem>> -> memref<31264xf32, #tpu.memory_space<vmem>>
      tpu.wait_dma2 semaphore(%arg12 : memref<!tpu.dma_semaphore, #tpu.memory_space<semaphore_mem>>) src(%dma_wait3A_97 : memref<31264xf32, #tpu.memory_space<vmem>>) dst(%dma_wait3A_95 : memref<31264xf32, #tpu.memory_space<hbm>>)
    } else {
    }
    %convert_element_type3A_90 = arith.extui %eq3A_3 : i1 to i32
    %cond3A_91 = arith.constant 0 : i32
    %cond3A_92 = arith.cmpi ne, %convert_element_type3A_90, %cond3A_91 : i32
    scf.if %cond3A_92 {
      %dma_wait3A = arith.constant 0 : i32
      %dma_wait3A_93 = tpu.memref_slice %arg7[%dma_wait3A] : memref<31264xf32, #tpu.memory_space<vmem>> -> memref<30816xf32, #tpu.memory_space<vmem>>
      %dma_wait3A_94 = tpu.memref_slice %arg5[%mul3A_2] : memref<1000000xf32, #tpu.memory_space<hbm>> -> memref<30816xf32, #tpu.memory_space<hbm>>
      %dma_wait3A_95 = tpu.memref_slice %arg5[%mul3A_2] : memref<1000000xf32, #tpu.memory_space<hbm>> -> memref<30816xf32, #tpu.memory_space<hbm>>
      %dma_wait3A_96 = arith.constant 0 : i32
      %dma_wait3A_97 = tpu.memref_slice %arg7[%dma_wait3A_96] : memref<31264xf32, #tpu.memory_space<vmem>> -> memref<30816xf32, #tpu.memory_space<vmem>>
      tpu.wait_dma2 semaphore(%arg12 : memref<!tpu.dma_semaphore, #tpu.memory_space<semaphore_mem>>) src(%dma_wait3A_97 : memref<30816xf32, #tpu.memory_space<vmem>>) dst(%dma_wait3A_95 : memref<30816xf32, #tpu.memory_space<hbm>>)
    } else {
    }
    return
  }
}

</mosaic_0001>

<sc_bundles>
// kernel: kernel.3.cloned.1.call-start
scs
__scs_entry_jumppad:
0x0: {  	(pc) =	sbr.rel $0x88, $3  }
0x1: {  	(tag) =	ssettag $0x0;
	lr =	simm.s32 $0x1  }
0x2: {  	[smem:$0x3F9E] =	sst lr;
	_ =	strace $0xD0000000  }
0x3: {  	_ = 	snop  }
0x4: {  	_ = 	snop  }
0x5: {  	_ = 	snop  }
0x6: {  	_ = 	snop  }
0x7: {  	_ = 	snop  }
__scs_overlays_trampoline_lowered:
0x8: {  	[smem:$0x3FAD] =	sst s0  }
0x9: {  	[smem:$0x3FAE] =	sst s1  }
0xa: {  	[smem:$0x3FAF] =	sst s2  }
0xb: {  	[smem:$0x3FB0] =	sst s3  }
0xc: {  	[smem:$0x3FB1] =	sst s4  }
0xd: {  	[smem:$0x3FB2] =	sst s5  }
0xe: {  	[smem:$0x3FB3] =	sst s6  }
0xf: {  	[smem:$0x3FB4] =	sst s7  }
0x10: {  	[smem:$0x3FB5] =	sst s8  }
0x11: {  	[smem:$0x3FB6] =	sst s9;
	s0 =	simm.s32 @!p0 $0x0  }
0x12: {  	s1 =	sld [smem:$0x3F9C];
	s0 =	simm.s32 @p0 $0x1  }
0x13: {  	[smem:$0x3FB7] =	sst s0;
	s0 =	simm.s32 @!p1 $0x0  }
0x14: {  	s2 =	sld [smem:$0x3F9B];
	s0 =	simm.s32 @p1 $0x1  }
0x15: {  	[smem:$0x3FB8] =	sst s0;
	s0 =	simm.s32 @!p2 $0x0  }
0x16: {  	s3 =	sld [smem:$0x3FDB];
	s0 =	simm.s32 @p2 $0x1  }
0x17: {  	s4 =	simm.s32 $0x1BF5;
	[smem:$0x3FBA] =	sst s0  }
0x18: {  	s0 =	sld [smem:$0x3F9D];
	_ =	swait.ge [sflag:s4], $0x0  }
0x19: {  	s7 =	sld [smem:$0x3F9E]  }
0x1a: {  	s8 =	sadd.s32 $0xFFFFE003, lr  }
0x1b: {  	s9 =	sadd.s32 $0xFFFFFEF7, lr;
	s5 =	simm.s32 $0xFFFFFFFF;
	p2 =	slt.u32 s8, $0xFFFFF086  }
0x1c: {  	p1 =	slt.u32 s9, $0xF7A;
	s5 =	simm.s32 @!p2 $0x0  }
0x1d: {  	s5 =	simm.s32 @p1 $0x1;
	p0 =	seq.s32 s7, s2  }
0x1e: {  	s7 =	smul.u32 @!p0 $0xF7A, s2;
	p2 =	seq.s32 @!p0 s5, $0x0  }
0x1f: {  	s9 =	smul.u32 $0xF7A, s1;
	s8 =	simm.s32 @!p0 $0x1BF5;
	p2 =	por !p2, p0  }
0x20: {  	[sflag:s8] =	ssyncset.s32 @!p0 $0xFFFFF086;
	s6 =	sadd.s32 @!p0 s3, s7;
	s7 =	simm.s32 @!p0 $0x108  }
0x21: {  	s3 =	sadd.s32 s3, s9;
	s6 =	sadd.s32 @!p0 $0x88, s6;
	s7 =	simm.s32 @p2 $0x1082  }
0x22: {  	[simem:s7], [sflag:s8] =	dma.local @!p0 [hbm:s6], $0xF7A  }
0x23: {  	s9 =	sor.u32 $0xD0000000, s2;
	s6 =	simm.s32 $0x108;
	_ =	swait.ge @!p0 [sflag:s8], $0x0  }
0x24: {  	s3 =	sadd.s32 $0x88, s3;
	s6 =	simm.s32 @!p1 $0x1082;
	[sflag:s4] =	ssyncset.s32 $0xFFFFF086  }
0x25: {  	[simem:s6], [sflag:s4] =	dma.local [hbm:s3], $0xF7A  }
0x26: {  	[smem:$0x3F9E] =	sst s1;
	(tag) =	ssettag s2;
	_ =	strace s9  }
0x27: {  	s1 =	sld [smem:$0x3FAE]  }
0x28: {  	s2 =	sld [smem:$0x3FAF]  }
0x29: {  	s4 =	sld [smem:$0x3FB1]  }
0x2a: {  	p0 =	seq.s32 s5, $0x0;
	s5 =	sld [smem:$0x3FB2]  }
0x2b: {  	s6 =	sld [smem:$0x3FB3]  }
0x2c: {  	s7 =	sld [smem:$0x3FB4]  }
0x2d: {  	s3 =	simm.s32 $0x108;
	s8 =	sld [smem:$0x3FB5]  }
0x2e: {  	s3 =	simm.s32 @!p0 $0x1082;
	s9 =	sld [smem:$0x3FB6]  }
0x2f: {  	lr =	sadd.s32 s0, s3;
	s0 =	sld [smem:$0x3FAD]  }
0x30: {  	s3 =	sld [smem:$0x3FB0]  }
0x31: {  	[smem:$0x3FB9] =	sst s10  }
0x32: {  	s10 =	sld [smem:$0x3FB7];
	_ =	sdelay $0x3  }
0x33: {  	p0 =	seq.s32 s10, $0x1;
	s10 =	sld [smem:$0x3FB9];
	_ =	sdelay $0x3  }
0x34: {  	[smem:$0x3FB9] =	sst s10  }
0x35: {  	s10 =	sld [smem:$0x3FB8];
	_ =	sdelay $0x3  }
0x36: {  	p1 =	seq.s32 s10, $0x1;
	s10 =	sld [smem:$0x3FB9];
	_ =	sdelay $0x3  }
0x37: {  	[smem:$0x3FB9] =	sst s10  }
0x38: {  	s10 =	sld [smem:$0x3FBA]  }
0x39: {  	_ = 	snop;
	(pc) =	sbr.ind lr, $3  }
0x3a: {  	_ = 	snop  }
0x3b: {  	_ = 	snop  }
0x3c: {  	p2 =	seq.s32 s10, $0x1;
	s10 =	sld [smem:$0x3FB9]  }
0x3d: {  	_ =	shalt  }
0x3e: {  	_ =	shalt  }
0x3f: {  	_ =	shalt  }
0x40: {  	_ =	shalt  }
0x41: {  	_ =	shalt  }
0x42: {  	_ =	shalt  }
0x43: {  	_ =	shalt  }
0x44: {  	_ =	shalt  }
0x45: {  	_ =	shalt  }
0x46: {  	_ =	shalt  }
0x47: {  	_ =	shalt  }
0x48: {  	_ =	shalt  }
0x49: {  	_ =	shalt  }
0x4a: {  	_ =	shalt  }
0x4b: {  	_ =	shalt  }
0x4c: {  	_ =	shalt  }
0x4d: {  	_ =	shalt  }
0x4e: {  	_ =	shalt  }
0x4f: {  	_ =	shalt  }
0x50: {  	_ =	shalt  }
0x51: {  	_ =	shalt  }
0x52: {  	_ =	shalt  }
0x53: {  	_ =	shalt  }
0x54: {  	_ =	shalt  }
0x55: {  	_ =	shalt  }
0x56: {  	_ =	shalt  }
0x57: {  	_ =	shalt  }
0x58: {  	_ =	shalt  }
0x59: {  	_ =	shalt  }
0x5a: {  	_ =	shalt  }
0x5b: {  	_ =	shalt  }
0x5c: {  	_ =	shalt  }
0x5d: {  	_ =	shalt  }
0x5e: {  	_ =	shalt  }
0x5f: {  	_ =	shalt  }
0x60: {  	_ =	shalt  }
0x61: {  	_ =	shalt  }
0x62: {  	_ =	shalt  }
0x63: {  	_ =	shalt  }
0x64: {  	_ =	shalt  }
0x65: {  	_ =	shalt  }
0x66: {  	_ =	shalt  }
0x67: {  	_ =	shalt  }
0x68: {  	_ =	shalt  }
0x69: {  	_ =	shalt  }
0x6a: {  	_ =	shalt  }
0x6b: {  	_ =	shalt  }
0x6c: {  	_ =	shalt  }
0x6d: {  	_ =	shalt  }
0x6e: {  	_ =	shalt  }
0x6f: {  	_ =	shalt  }
0x70: {  	_ =	shalt  }
0x71: {  	_ =	shalt  }
0x72: {  	_ =	shalt  }
0x73: {  	_ =	shalt  }
0x74: {  	_ =	shalt  }
0x75: {  	_ =	shalt  }
0x76: {  	_ =	shalt  }
0x77: {  	_ =	shalt  }
0x78: {  	_ =	shalt  }
0x79: {  	_ =	shalt  }
0x7a: {  	_ =	shalt  }
0x7b: {  	_ =	shalt  }
0x7c: {  	_ =	shalt  }
0x7d: {  	_ =	shalt  }
0x7e: {  	_ =	shalt  }
0x7f: {  	_ =	shalt  }
0x80: {  	_ =	shalt  }
0x81: {  	_ =	shalt  }
0x82: {  	_ =	shalt  }
0x83: {  	_ =	shalt  }
0x84: {  	_ =	shalt  }
0x85: {  	_ =	shalt  }
0x86: {  	_ =	shalt  }
0x87: {  	_ =	shalt  }
.Lfunc_end0:
.L_simem_size_0:
called_computation_lowered:
.L_overlay_start_0:
0x88: {  	s2 =	sld [smem:$0x3FD9]  }
0x89: {  	s3 =	sld [smem:$0x3FFE];
	_ =	sdelay $0x1  }
0x8a: {  	s1 =	srdreg.scid  }
0x8b: {  	s0 =	sand.u32 $0x1, s1  }
0x8c: {  	s15 =	sshll.u32 s0, $0xA;
	s2 =	sadd.s32 s3, s2  }
0x8d: {  	s2 =	sadd.s32 s2, s15  }
0x8e: {  	[smem:$0x3FC5] =	sst s2  }
0x8f: {  	_ = 	snop  }
0x90: {  	s2 =	sld [smem:$0x3FD0]  }
0x91: {  	s16 =	sld [smem:$0x3FC9]  }
0x92: {  	s4 =	sld [smem:$0x3FC8]  }
0x93: {  	s6 =	simm.s32 $0xA;
	s7 =	simm.s32 $0x10;
	s5 =	sld [smem:$0x3FC7]  }
0x94: {  	[smem:s7], [sflag:s6] =	dma.local [hbm:s2], $0x1  }
0x95: {  	_ =	swait.eq [sflag:s6], $0x1  }
0x96: {  	[sflag:s6] =	ssyncset.done $0x0  }
0x97: {  	s17 =	sld [smem:$0x10];
	[sflag:s6] =	ssyncadd.s32 $0xFFFFFFFF  }
0x98: {  	s18 =	sld [smem:$0x11];
	(tm) =	ssettm $0x1  }
0x99: {  	s19 =	sld [smem:$0x3FFB];
	_ =	sdelay $0x3  }
0x9a: {  	_ =	strace s19  }
0x9b: {  	s7 =	sld [smem:$0x3FFC];
	_ =	sdelay $0x3  }
0x9c: {  	_ =	strace s7  }
0x9d: {  	s7 =	sld [smem:$0x3FFD];
	_ =	sdelay $0x3  }
0x9e: {  	_ =	strace s7  }
0x9f: {  	_ =	strace $0x8FFFFFFF  }
0xa0: {  	s20 =	sld [smem:$0x3FDB];
	_ =	sdelay $0x1  }
0xa1: {  	s8 =	simm.s32 $_scs_section_size  }
0xa2: {  	s9 =	simm.s32 $_size__tile_overlayer_lowered;
	s10 =	simm.s32 $_tile_overlayer_lowered  }
0xa3: {  	s23 =	simm.s32 $0x1BFF;
	s22 =	sshll.u32 s10, $0x1;
	s7 =	sadd.s32 s8, s20  }
0xa4: {  	s11 =	simm.s32 $0x0;
	s21 =	sshll.u32 s9, $0x1;
	s9 =	sadd.s32 s22, s7  }
0xa5: {  	[timem:s11], [sflag:s23] =	dma.local [hbm:s9], s21  }
0xa6: {  	_ =	swait.ge [sflag:s23], s21  }
0xa7: {  	s8 =	ssub.s32 $0x0, s21;
	[sflag:s23] =	ssyncset.done $0x0  }
0xa8: {  	[sflag:s23] =	ssyncadd.s32 s8;
	_ =	sdelay $0x1  }
0xa9: {  	s24 =	simm.s32 $0x1B8B  }
0xaa: {  	_ =	swait.ge [sflag:s24], $0x1  }
0xab: {  	[sflag:s24] =	ssyncset.done $0x0  }
0xac: {  	s25 =	simm.s32 $0x1B8E;
	[sflag:s24] =	ssyncadd.s32 $0xFFFFFFFF  }
0xad: {  	s26 =	simm.s32 $execute0_lowered;
	[smem:$0x3FD2] =	sst s25  }
0xae: {  	s8 =	sshll.u32 s26, $0x1;
	_ =	strace $0x80000046;
	[dreg:$0x1] =	wrdreg $0xFFFFFFFF  }
0xaf: {  	s28 =	simm.s32 $_size_execute0_lowered;
	s7 =	sadd.s32 s7, s8;
	[dreg:$0x0] =	wrdreg $0x0  }
0xb0: {  	s8 =	sshll.u32 s28, $0x1;
	[dreg:$0x2] =	wrdreg s7  }
0xb1: {  	[dreg:$0x3] =	wrdreg s8  }
0xb2: {  	[dreg:$0x4] =	wrdreg $0xC0  }
0xb3: {  	_ =	task [dreg:s11], $0x5FFFF  }
0xb4: {  	[dreg:$0x1] =	wrdreg $0xFFFFFFFF  }
0xb5: {  	[dreg:$0x0] =	wrdreg $0x60  }
0xb6: {  	[dreg:$0x2] =	wrdreg s16  }
0xb7: {  	[dreg:$0x3] =	wrdreg s4  }
0xb8: {  	[dreg:$0x4] =	wrdreg s5  }
0xb9: {  	[dreg:$0x5] =	wrdreg s17  }
0xba: {  	[dreg:$0x6] =	wrdreg s18  }
0xbb: {  	[dreg:$0x7] =	wrdreg $0x9  }
0xbc: {  	_ =	task.clear_ibuf [dreg:s11], $0x8FFFF;
	_ =	strace $0x90000046  }
0xbd: {  	s29 =	simm.s32 $0x9;
	_ =	strace $0x80000048  }
0xbe: {  	_ =	swait.ge [sflag:s29], $0x1  }
0xbf: {  	[sflag:s29] =	ssyncadd.s32 $0xFFFFFFFF  }
0xc0: {  	_ =	strace $0x90000048  }
0xc1: {  	_ =	sfence  }
0xc2: {  	s30 =	sld [smem:$0x0];
	_ =	sdelay $0x2  }
0xc3: {  	s31 =	sshll.u32 s1, $0xD;
	s1 =	sshrl.u32 s1, $0x2  }
0xc4: {  	s3 =	sand.u32 $0x4000, s31;
	s1 =	sadd.s32 s1, s30  }
0xc5: {  	s0 =	sor.u32 s3, s0;
	s1 =	sshll.u32 s1, $0x11  }
0xc6: {  	s0 =	sor.u32 s1, s0  }
0xc7: {  	s0 =	sadd.s32 $0x8F2B, s0  }
0xc8: {  	[sflag:s0] =	ssyncadd.remote.s32 $0x1  }
0xc9: {  	_ =	sfence.sel $0xFFFF  }
0xca: {  	[dreg:$0x0] =	wrdreg $0xFFFFFFFF;
	(pc) =	sbr.abs _section_cstart, $3  }
0xcb: {  	[dreg:$0x1] =	wrdreg $0xFFFFFFFF  }
0xcc: {  	_ =	task.clear_ibuf [dreg:s11], $0x2FFFF;
	_ =	strace $0x9FFFFFFF  }
0xcd: {  	(tm) =	ssettm $0x7FFFFFFF  }
tec
execute0_lowered:
.L_overlay_start_1:
0x0: {  	(tag) =	ssettag $0x1  }
0x1: {  	v0 =	vimm.s32 $0xFFEDCBA9  }
0x2: {  	v1 =	vimm.s32 $0x87654321;
	v2 =	vimm.s32 $0xEDCBA987;
	v3 =	vimm.s32 $0x65432100  }
0x3: {  	v0 =	vunpack.c.l.s4.s8 v0;
	v1 =	vunpack.c.l.s4.s8 v1;
	v2 =	vunpack.c.l.s4.s8 v2  }
0x4: {  	v3 =	vunpack.c.l.s4.s8 v3  }
0x5: {  	v4 =	vunpack.c.0.s8.s32 v0;
	v1 =	vunpack.c.0.s8.s32 v1;
	v2 =	vunpack.c.0.s8.s32 v2  }
0x6: {  	s8 =	rddreg [dreg:$0x0];
	v3 =	vunpack.c.0.s8.s32 v3  }
0x7: {  	s1 =	srdreg.scid;
	s2 =	rddreg [dreg:$0x2];
	v7 =	vimm.s32 $0xE40000;
	v1 =	vcombine.low v1, v4;
	v2 =	vand.u32 $0xF, v2  }
0x8: {  	s0 =	stileid.u32;
	s9 =	rddreg [dreg:$0x3];
	v4 =	vimm.s32 $0xDCBA9876;
	v2 =	vcombine.low v3, v2;
	v3 =	vimm.s32 $0x54321000  }
0x9: {  	s4 =	rddreg [dreg:$0x4];
	s6 =	sand.u32 $0x1, s1;
	s30 =	sshll.u32 s0, $0x1;
	v5 =	vunpack.c.l.s4.s8 v3;
	v3 =	vunpack.c.l.s4.s8 v4;
	v4 =	vimm.s32 $0xBA987654  }
0xa: {  	v6 =	vimm.s32 $0x32100000;
	s5 =	simm.s32 $0x0;
	s13 =	simm.s32 $0xBA80;
	v7 =	vunpack.c.l.s2.s4 v7;
	s11 =	sor.u32 s6, s30;
	v4 =	vunpack.c.l.s4.s8 v4  }
0xb: {  	vm0 =	vcmask $0x3F3C;
	vm1 =	vcmask $0x3F04;
	s14 =	simm.s32 $0xFA80;
	s15 =	simm.s32 $0x80;
	v6 =	vunpack.c.l.s4.s8 v6;
	s7 =	smul.u32 $0x7A20, s11  }
0xc: {  	s16 =	simm.s32 $0x2;
	s1 =	rddreg [dreg:$0x1];
	s6 =	ssub.s32 $0x2, s6;
	v7 =	vunpack.c.l.s4.s8 v7;
	v8 =	vunpack.c.0.s8.s32 v3;
	v9 =	vunpack.c.0.s8.s32 v4  }
0xd: {  	vm2 =	vcmask $0x3F08;
	s17 =	simm.s32 $0x0;
	[smem:$0x7FF] =	sst s5;
	s31 =	sshrl.u32 s6, $0x1;
	v6 =	vunpack.c.0.s8.s32 v6;
	v0 =	vmov s7  }
.Ltmp0:
0xe: {  	p0 =	seq.s32 s11, $0x1F;
	s11 =	simm.s32 $0x3;
	v7 =	vunpack.c.0.s8.s32 v7;
	v4 =	vand.u32 $0xF, v8;
	v8 =	vand.u32 $0xF, v9;
	(pc) =	sbr.rel .LBB2_1-.Ltmp0, $4  }
0xf: {  	s3 =	smin.u32 s7, $0xEC820;
	s12 =	sshrl.u32 s7, $0x3;
	s7 =	sadd.s32 $0x1D93C, s8;
	v5 =	vunpack.c.0.s8.s32 v5;
	v6 =	vcombine.low v6, v8;
	v8 =	vimm.s32 $0x7060504  }
0x10: {  	vm4 =	vcmask $0x3F30;
	vm3 =	vcmask $0x3F10;
	s10 =	sadd.s32 $0x7A20, s3;
	s3 =	rddreg [dreg:$0x5];
	_ =	strace $0x80000047;
	v8 =	vunpack.c.0.s8.s32 v8  }
0x11: {  	v7 =	vand.u32 $0x3, v7;
	v3 =	vmov s10;
	s10 =	ssub.s32 s6, s31;
	s6 =	sadd.s32 s8, s12;
	s8 =	sadd.s32 s9, s12;
	v4 =	vcombine.low v5, v4  }
0x12: {  	s9 =	sadd.s32 $0x1D93C, s9;
	s12 =	simm.s32 $0x7A80;
	s10 =	smax.u32 s10, $0x1;
	v5 =	vlaneseq.u32;
	v7 =	vsel vm4, v8, v7;
	vm4 =	vcmask $0x3F20  }
.LBB2_22:
0x13: {  	[sflag:s16] =	ssyncadd.s32 $0xFFFFFF80  }
.LBB2_23:
0x14: {  	s18 =	simm.s32 @p0 $0x1;
	s17 =	sadd.s32 $0x1, s17  }
0x15: {  	_ =	swait.ge @p0 [sflag:s18], $0x7860;
	p1 =	sne.s32 s17, s10  }
.Ltmp1:
0x16: {  	[sflag:s18] =	ssyncset.done @p0 $0x0;
	(pc) =	sbr.rel @!p1 .LBB2_24-.Ltmp1, $4  }
0x17: {  	[sflag:s18] =	ssyncadd.s32 @p0 $0xFFFF87A0;
	s18 =	simm.s32 @!p0 $0x1  }
0x18: {  	_ =	swait.ge @!p0 [sflag:s18], $0x7A20  }
0x19: {  	[sflag:s18] =	ssyncset.done @!p0 $0x0  }
0x1a: {  	[sflag:s18] =	ssyncadd.s32 @!p0 $0xFFFF85E0  }
.LBB2_1:
0x1b: {  	s18 =	simm.s32 @p0 $0x0  }
0x1c: {  	[tilespmem:s18], [sflag:$0x1] =	stream.linear.gather @p0 [hbm4b:s7+s18], $0x7860, $0x38;
	[tilespmem:$0x17A80] =	vst v63  }
0x1d: {  	s18 =	simm.s32 @!p0 $0x0  }
0x1e: {  	[tilespmem:s18], [sflag:$0x1] =	stream.linear.gather @!p0 [hbm4b:s6+s18], $0x7A20, $0x38;
	[tilespmem:$0x17A80] =	vst v63  }
0x1f: {  	_ = 	snop  }
0x20: {  	[tilespmem:s12], [sflag:$0x3] =	stream.linear.gather [hbm4b:s2+s5], $0x4000, $0x38;
	[tilespmem:$0x17A80] =	vst v63  }
0x21: {  	_ =	swait.ge [sflag:s11], $0x4000  }
0x22: {  	[sflag:s11] =	ssyncset.done $0x0  }
0x23: {  	[sflag:s11] =	ssyncadd.s32 $0xFFFFC000  }
0x24: {  	[tilespmem:s13], [sflag:$0x3] =	stream.linear.gather [hbm4b:s1+s5], $0x4000, $0x38;
	[tilespmem:$0x17A80] =	vst v63  }
0x25: {  	_ =	swait.ge [sflag:s11], $0x4000  }
0x26: {  	[sflag:s11] =	ssyncset.done $0x0  }
0x27: {  	[sflag:s11] =	ssyncadd.s32 $0xFFFFC000  }
0x28: {  	s29 =	simm.s32 $0x7A90;
	v8 =	vld [tilespmem:s12+$0x0]  }
0x29: {  	v9 =	vld [tilespmem:s29+$0x0];
	_ =	sdelay $0x3  }
0x2a: {  	vm5 =	vge.s32 v8, v0;
	vm6 =	vlt.s32 v8, v3  }
0x2b: {  	v11 =	vld [tilespmem:s13+$0x0];
	vm7 =	vlt.s32 v9, v3;
	vm5 =	vmand vm5, vm6;
	vm6 =	vge.s32 v9, v0  }
0x2c: {  	v10 =	vmpcnt.ones.xlane vm5;
	vm6 =	vmand vm6, vm7  }
0x2d: {  	v14 =	vmpcnt.ones.xlane vm6  }
0x2e: {  	v8 =	vxor.u32 $0x80000000, v8;
	v12 =	vbroadcast v10, $0x0;
	(v2sf) =	vpush v10, $0x0  }
0x2f: {  	s19 =	simm.s32 $0xBA90;
	v8 =	vnsel vm5, $0xFFFFFFFF, v8;
	(v2sf) =	vpush v14, $0x0  }
0x30: {  	(xrf1) =	vsort.ascd.msk.u32 $0xffff, v8, v11;
	v10 =	vld [tilespmem:s19+$0x0];
	vm5 =	vgt.s32 v12, v5;
	v12 =	vbroadcast v14, $0x0;
	v14 =	vor.u32 s5, v5  }
0x31: {  	(xrf1) =	vsort.ascd.msk.u32 $0xffff, v8, v14;
	_ =	sdelay $0x1  }
0x32: {  	v9 =	vxor.u32 $0x80000000, v9  }
0x33: {  	s30 =	simm.s32 $0x7AA0;
	s31 =	simm.s32 $0x10;
	v15 =	vnsel vm6, $0xFFFFFFFF, v9  }
0x34: {  	v13 =	vld [tilespmem:s30+$0x0];
	v11 =	vor.u32 s31, v5;
	(xrf1) =	vsort.ascd.msk.u32 $0xffff, v15, v10  }
0x35: {  	(xrf1) =	vsort.ascd.msk.u32 $0xffff, v15, v11;
	_ =	sdelay $0x1  }
0x36: {  	s19 =	simm.s32 $0xBAA0  }
0x37: {  	v9 =	vld [tilespmem:s19+$0x0]  }
0x38: {  	vm8 =	vlt.s32 v13, v3;
	vm6 =	vge.s32 v13, v0  }
0x39: {  	vm8 =	vmand vm6, vm8;
	vm5 =	vmmov vm5;
	v8 =	vadd.s32 s5, v5  }
0x3a: {  	s21 =	simm.s32 $0x20;
	s22 =	simm.s32 $0x7AB0;
	vm7 =	vgt.s32 v12, v5;
	v12 =	vxor.u32 $0x80000000, v13;
	vm6 =	vmmov vm5  }
0x3b: {  	s23 =	simm.s32 $0x40;
	s20 =	simm.s32 $0x0;
	s18 =	simm.s32 $0x30;
	v10 =	vld [tilespmem:s22+$0x0];
	v12 =	vnsel vm8, $0xFFFFFFFF, v12;
	v11 =	vmpcnt.ones.xlane vm8;
	vm8 =	vmmov vm7  }
.LBB2_2:
0x3c: {  	p1 =	sne.s32 s23, $0x3FF0;
	v13 =	vor.u32 s21, v5;
	(xrf1) =	vsort.ascd.msk.u32 $0xffff, v12, v9;
	v9, v14, _ =	vpop (xrf1);
	s21 =	smov.u32 s18;
	s18 =	smov.u32 s23  }
0x3d: {  	s19 =	sadd.s32 $0x10, s19;
	v15 =	vbroadcast v11, $0x0;
	(v2sf) =	vpush v11, $0x0;
	(xrf1) =	vsort.ascd.msk.u32 $0xffff, v12, v13;
	v11 =	vxor.u32 $0x80000000, v9;
	_, v12, _ =	vpop (xrf1)  }
.Ltmp2:
0x3e: {  	v9 =	vld [tilespmem:s19+$0x0];
	s24 =	spop (v2sf);
	(pc) =	sbr.rel @p1 .LBB2_2-.Ltmp2, $4  }
0x3f: {  	[tilespmem:v8+s12+$0x0] =	vst.idx.msk vm5, v11;
	s20 =	sadd.s32 s20, s24;
	vm5 =	vmmov vm7;
	vm7 =	vgt.s32 v15, v5  }
0x40: {  	vm9 =	vge.s32 v10, v0;
	vm10 =	vlt.s32 v10, v3;
	v13 =	vxor.u32 $0x80000000, v10;
	[tilespmem:v8+s13+$0x0] =	vst.idx.msk vm6, v14  }
0x41: {  	s22 =	sadd.s32 $0x10, s22;
	vm9 =	vmand vm9, vm10;
	[tilespmem:v8+s14+$0x0] =	vst.idx.msk vm6, v12;
	v8 =	vadd.s32 s20, v5;
	vm6 =	vmmov vm8  }
0x42: {  	s23 =	sadd.s32 $0x10, s23;
	vm8 =	vmmov vm7;
	v10 =	vld [tilespmem:s22+$0x0];
	v11 =	vmpcnt.ones.xlane vm9;
	v12 =	vnsel vm9, $0xFFFFFFFF, v13  }
0x43: {  	_ = 	snop  }
0x44: {  	s19 =	sadd.s32 $0x10, s19  }
0x45: {  	v13 =	vld [tilespmem:s19+$0x0];
	_ =	sdelay $0x1  }
0x46: {  	(xrf1) =	vsort.ascd.msk.u32 $0xffff, v12, v9;
	(v2sf) =	vpush v11, $0x0;
	vm9 =	vge.s32 v10, v0;
	vm10 =	vlt.s32 v10, v3  }
0x47: {  	v9 =	vor.u32 s21, v5;
	v10 =	vxor.u32 $0x80000000, v10;
	vm9 =	vmand vm9, vm10  }
0x48: {  	(xrf1) =	vsort.ascd.msk.u32 $0xffff, v12, v9;
	v9 =	vnsel vm9, $0xFFFFFFFF, v10  }
0x49: {  	v60 =	vor.u32 s18, v5;
	(xrf1) =	vsort.ascd.msk.u32 $0xffff, v9, v13  }
0x4a: {  	v10 =	vmpcnt.ones.xlane vm9;
	(xrf1) =	vsort.ascd.msk.u32 $0xffff, v9, v60;
	v9 =	vbroadcast v11, $0x0;
	_ =	sdelay $0x1  }
0x4b: {  	s28 =	spop (v2sf);
	(v2sf) =	vpush v10, $0x0;
	v11, v61, _ =	vpop (xrf1)  }
0x4c: {  	v11 =	vxor.u32 $0x80000000, v11  }
0x4d: {  	vm7 =	vmmov vm7;
	vm8 =	vmmov vm8;
	s18 =	sadd.s32 s20, s28  }
0x4e: {  	v62 =	vadd.s32 s18, v5;
	v10 =	vbroadcast v10, $0x0;
	vm15 =	vgt.s32 v9, v5;
	[tilespmem:v8+s12+$0x0] =	vst.idx.msk vm5, v11;
	_, v9, _ =	vpop (xrf1)  }
0x4f: {  	s29 =	spop (v2sf);
	[tilespmem:v8+s13+$0x0] =	vst.idx.msk vm6, v61;
	v11, v14, _ =	vpop (xrf1)  }
0x50: {  	s18 =	sadd.s32 s18, s29;
	vm5 =	vmmov vm15;
	[tilespmem:v8+s14+$0x0] =	vst.idx.msk vm6, v9;
	v8 =	vxor.u32 $0x80000000, v11  }
0x51: {  	v63 =	vadd.s32 s18, v5  }
0x52: {  	_, v9, _ =	vpop (xrf1)  }
0x53: {  	vm6 =	vgt.s32 v10, v5;
	[tilespmem:v62+s12+$0x0] =	vst.idx.msk vm7, v8;
	v8, v10, _ =	vpop (xrf1)  }
0x54: {  	s30 =	spop (v2sf);
	[tilespmem:v62+s13+$0x0] =	vst.idx.msk vm8, v14;
	v8 =	vxor.u32 $0x80000000, v8  }
0x55: {  	vm6 =	vmmov vm6;
	s18 =	sadd.s32 s18, s30;
	[tilespmem:v62+s14+$0x0] =	vst.idx.msk vm8, v9  }
0x56: {  	v11 =	vadd.s32 s18, v5;
	_, v9, _ =	vpop (xrf1);
	[tilespmem:v63+s12+$0x0] =	vst.idx.msk vm5, v8  }
0x57: {  	[tilespmem:v63+s13+$0x0] =	vst.idx.msk vm5, v10;
	v8, v10, _ =	vpop (xrf1)  }
0x58: {  	v8 =	vxor.u32 $0x80000000, v8;
	_ =	sdelay $0x1  }
0x59: {  	[tilespmem:v63+s14+$0x0] =	vst.idx.msk vm5, v9;
	s31 =	spop (v2sf)  }
0x5a: {  	[tilespmem:v11+s12+$0x0] =	vst.idx.msk vm6, v8;
	s18 =	sadd.s32 s18, s31  }
0x5b: {  	[tilespmem:v11+s13+$0x0] =	vst.idx.msk vm6, v10;
	s19 =	sadd.s32 $0xF, s18;
	_, v8, _ =	vpop (xrf1)  }
0x5c: {  	s20 =	simm.s32 @p0 $0x1;
	s19 =	sshra.s32 s19, $0x4;
	[tilespmem:v11+s14+$0x0] =	vst.idx.msk vm6, v8  }
0x5d: {  	p2 =	slt.s32 s19, $0x1;
	_ =	swait.ge @p0 [sflag:s20], $0x7860  }
.Ltmp3:
0x5e: {  	[sflag:s20] =	ssyncset.done @p0 $0x0;
	(pc) =	sbr.rel @p2 .LBB2_10-.Ltmp3, $4  }
0x5f: {  	[sflag:s20] =	ssyncadd.s32 @p0 $0xFFFF87A0;
	s20 =	simm.s32 @!p0 $0x1  }
0x60: {  	_ =	swait.ge @!p0 [sflag:s20], $0x7A20  }
0x61: {  	[sflag:s20] =	ssyncset.done @!p0 $0x0  }
0x62: {  	vm9 =	vmmov vm5;
	vm7 =	vmmov vm6;
	p1 =	sne.s32 s19, $0x1;
	v8 =	vmov s18;
	[sflag:s20] =	ssyncadd.s32 @!p0 $0xFFFF85E0  }
.Ltmp4:
0x63: {  	(pc) =	sbr.rel @!p1 .LBB2_5-.Ltmp4, $3  }
0x64: {  	_ =	sdelay $0x1  }
0x65: {  	s22 =	simm.s32 $0x7A80;
	s21 =	simm.s32 $0xBA80  }
0x66: {  	s20 =	simm.s32 $0x0;
	p3 =	por $0x0, $0x0;
	v9 =	vld [tilespmem:s22+$0x0];
	s22 =	sadd.s32 $0xFFFFFFFF, s19  }
0x67: {  	v10 =	vld [tilespmem:s21+$0x0];
	_ =	sdelay $0x2  }
0x68: {  	v11 =	vor.u32 s20, v5  }
0x69: {  	vm5 =	vlt.s32 v11, v8;
	v9 =	vxor.u32 $0x80000000, v9  }
0x6a: {  	v10 =	vnsel vm5, $0xFF800000, v10;
	v9 =	vnsel vm5, $0xFFFFFFFF, v9  }
0x6b: {  	(xrf1) =	vsort.ascd.msk.u32 $0xffff, v9, v10;
	_ =	sdelay $0xd  }
0x6c: {  	v9, v10, _ =	vpop (xrf1)  }
0x6d: {  	v11 =	vxor.u32 $0x80000000, v9  }
0x6e: {  	v12 =	vperm.xlane v11, v2  }
0x6f: {  	v13 =	vperm.xlane v10, v2  }
0x70: {  	v14 =	vperm.xlane v11, v1;
	vm5 =	veq.s32 v12, v11  }
0x71: {  	v57 =	vmax.f32 v10, v13;
	vm5 =	vmand vm5, vm1  }
0x72: {  	v58 =	vperm.xlane v11, v4;
	vm6 =	vne.s32 v11, v14;
	v10 =	vsel vm5, v57, v10  }
0x73: {  	vm6 =	vmor vm6, vm0;
	vm5 =	vne.s32 v9, $0xFFFFFFFF;
	v9 =	vperm.xlane v10, v4  }
0x74: {  	v59 =	vsub.s32 v11, v0;
	vm5 =	vmand vm5, vm6;
	vm6 =	veq.s32 v58, v11  }
0x75: {  	v60 =	vnsel vm5, $0x0, v59;
	vm6 =	vmand vm6, vm2;
	v9 =	vmax.f32 v10, v9  }
0x76: {  	v9 =	vsel vm6, v9, v10;
	v10 =	vperm.xlane v11, v6  }
0x77: {  	v61 =	vperm.xlane v9, v6  }
0x78: {  	vm6 =	veq.s32 v10, v11  }
0x79: {  	vm6 =	vmand vm6, vm3;
	v10 =	vmax.f32 v9, v61  }
0x7a: {  	v62 =	vld.idx.msk [tilespmem:v60+s5+$0x0], vm5;
	v9 =	vsel vm6, v10, v9;
	v10 =	vperm.xlane v11, v7  }
0x7b: {  	v63 =	vperm.xlane v9, v7  }
0x7c: {  	p4 =	sne.s32 s22, $0x1;
	vm6 =	veq.s32 v10, v11  }
.Ltmp5:
0x7d: {  	vm6 =	vmand vm6, vm4;
	v10 =	vmax.f32 v9, v63;
	(pc) =	sbr.rel @!p4 .LBB2_7-.Ltmp5, $4  }
0x7e: {  	v9 =	vsel vm6, v10, v9  }
0x7f: {  	v9 =	vmax.f32 v62, v9  }
0x80: {  	s23 =	simm.s32 $0x7A90;
	s24 =	sadd.s32 $0xFFFFFFFF, s22;
	[tilespmem:v60+s5+$0x0] =	vst.idx.msk vm5, v9  }
0x81: {  	s21 =	simm.s32 $0xBA90;
	p3 =	por $0x1, $0x1;
	s22 =	simm.s32 $0x0;
	v9 =	vld [tilespmem:s23+$0x0]  }
.LBB2_8:
0x82: {  	p4 =	sne.s32 s24, $0x1;
	v10 =	vld [tilespmem:s21+$0x0];
	_ =	sdelay $0x1  }
0x83: {  	s22 =	sadd.s32 $0x10, s22  }
0x84: {  	v11 =	vor.u32 s22, v5  }
0x85: {  	vm5 =	vlt.s32 v11, v8;
	v9 =	vxor.u32 $0x80000000, v9  }
0x86: {  	v10 =	vnsel vm5, $0xFF800000, v10;
	v9 =	vnsel vm5, $0xFFFFFFFF, v9  }
0x87: {  	(xrf1) =	vsort.ascd.msk.u32 $0xffff, v9, v10;
	_ =	sdelay $0xd  }
0x88: {  	v9, v10, _ =	vpop (xrf1)  }
0x89: {  	v11 =	vxor.u32 $0x80000000, v9  }
0x8a: {  	v12 =	vperm.xlane v11, v2  }
0x8b: {  	v14 =	vperm.xlane v10, v2;
	v13 =	vperm.xlane v11, v1  }
0x8c: {  	vm5 =	vne.s32 v9, $0xFFFFFFFF;
	vm6 =	veq.s32 v12, v11  }
0x8d: {  	v9 =	vmax.f32 v10, v14;
	vm7 =	vne.s32 v11, v13;
	vm6 =	vmand vm6, vm1  }
0x8e: {  	vm7 =	vmor vm7, vm0;
	v9 =	vsel vm6, v9, v10;
	v10 =	vperm.xlane v11, v4  }
0x8f: {  	v13 =	vsub.s32 v11, v0;
	vm5 =	vmand vm5, vm7;
	v12 =	vperm.xlane v9, v4  }
0x90: {  	vm6 =	veq.s32 v10, v11;
	v10 =	vnsel vm5, $0x0, v13  }
0x91: {  	vm6 =	vmand vm6, vm2;
	v12 =	vmax.f32 v9, v12  }
0x92: {  	v9 =	vsel vm6, v12, v9;
	v12 =	vperm.xlane v11, v6  }
0x93: {  	v13 =	vperm.xlane v9, v6  }
0x94: {  	vm6 =	veq.s32 v12, v11  }
0x95: {  	vm6 =	vmand vm6, vm3;
	v12 =	vmax.f32 v9, v13;
	v13 =	vld.idx.msk [tilespmem:v10+s5+$0x0], vm5  }
0x96: {  	v9 =	vsel vm6, v12, v9;
	v12 =	vperm.xlane v11, v7  }
0x97: {  	v14 =	vperm.xlane v9, v7  }
0x98: {  	vm6 =	veq.s32 v12, v11  }
.Ltmp6:
0x99: {  	vm6 =	vmand vm6, vm4;
	v11 =	vmax.f32 v9, v14;
	(pc) =	sbr.rel @p4 .LBB2_8-.Ltmp6, $4  }
0x9a: {  	v9 =	vsel vm6, v11, v9  }
0x9b: {  	v9 =	vmax.f32 v13, v9  }
0x9c: {  	s23 =	sadd.s32 $0x10, s23;
	[tilespmem:v10+s5+$0x0] =	vst.idx.msk vm5, v9  }
0x9d: {  	s24 =	sadd.s32 $0xFFFFFFFF, s24;
	s21 =	sadd.s32 $0x10, s21;
	v9 =	vld [tilespmem:s23+$0x0]  }
.LBB2_9:
0x9e: {  	v10 =	vld [tilespmem:s21+$0x0]  }
0x9f: {  	s21 =	sadd.s32 @p3 $0x10, s22  }
0xa0: {  	s20 =	smov.u32 @p3 s21  }
0xa1: {  	v11 =	vor.u32 s20, v5  }
0xa2: {  	vm5 =	vlt.s32 v11, v8;
	v9 =	vxor.u32 $0x80000000, v9  }
0xa3: {  	v10 =	vnsel vm5, $0xFF800000, v10;
	v9 =	vnsel vm5, $0xFFFFFFFF, v9  }
0xa4: {  	(xrf1) =	vsort.ascd.msk.u32 $0xffff, v9, v10;
	_ =	sdelay $0xd  }
0xa5: {  	v9, v10, _ =	vpop (xrf1)  }
0xa6: {  	v11 =	vxor.u32 $0x80000000, v9  }
0xa7: {  	v12 =	vperm.xlane v11, v2  }
0xa8: {  	v13 =	vperm.xlane v10, v2  }
0xa9: {  	v14 =	vperm.xlane v11, v1;
	vm5 =	veq.s32 v12, v11  }
0xaa: {  	v57 =	vmax.f32 v10, v13;
	vm5 =	vmand vm5, vm1  }
0xab: {  	v58 =	vperm.xlane v11, v4;
	vm6 =	vne.s32 v11, v14;
	v10 =	vsel vm5, v57, v10  }
0xac: {  	vm6 =	vmor vm6, vm0;
	vm5 =	vne.s32 v9, $0xFFFFFFFF;
	v9 =	vperm.xlane v10, v4  }
0xad: {  	v59 =	vsub.s32 v11, v0;
	vm5 =	vmand vm5, vm6;
	vm6 =	veq.s32 v58, v11  }
0xae: {  	v60 =	vnsel vm5, $0x0, v59;
	vm6 =	vmand vm6, vm2;
	v9 =	vmax.f32 v10, v9  }
0xaf: {  	v9 =	vsel vm6, v9, v10;
	v10 =	vperm.xlane v11, v6  }
0xb0: {  	v61 =	vperm.xlane v9, v6  }
0xb1: {  	vm6 =	veq.s32 v10, v11  }
0xb2: {  	vm6 =	vmand vm6, vm3;
	v10 =	vmax.f32 v9, v61  }
0xb3: {  	v62 =	vld.idx.msk [tilespmem:v60+s5+$0x0], vm5;
	v9 =	vsel vm6, v10, v9;
	v10 =	vperm.xlane v11, v7  }
0xb4: {  	v63 =	vperm.xlane v9, v7  }
0xb5: {  	vm6 =	veq.s32 v10, v11  }
0xb6: {  	vm6 =	vmand vm6, vm4;
	v10 =	vmax.f32 v9, v63  }
0xb7: {  	v9 =	vsel vm6, v10, v9  }
0xb8: {  	v9 =	vmax.f32 v62, v9  }
0xb9: {  	[tilespmem:v60+s5+$0x0] =	vst.idx.msk vm5, v9  }
.LBB2_10:
.Ltmp7:
0xba: {  	(pc) =	sbr.rel @p2 .LBB2_17-.Ltmp7, $4  }
0xbb: {  	s20 =	simm.s32 @p0 $0x0  }
0xbc: {  	[hbm4b:s9+s20] =	stream.linear.scatter @p0 [tilespmem:s20], [sflag:$0x1], $0x7860, $0x38;
	[tilespmem:$0x17A80] =	vst v63  }
0xbd: {  	s20 =	simm.s32 @!p0 $0x0  }
0xbe: {  	[hbm4b:s8+s20] =	stream.linear.scatter @!p0 [tilespmem:s20], [sflag:$0x1], $0x7A20, $0x38;
	[tilespmem:$0x17A80] =	vst v63  }
.Ltmp8:
0xbf: {  	(pc) =	sbr.rel @!p1 .LBB2_12-.Ltmp8, $3  }
0xc0: {  	_ =	sdelay $0x1  }
0xc1: {  	s23 =	simm.s32 $0x7A80;
	s21 =	simm.s32 $0xBA80;
	s20 =	simm.s32 $0x13A80  }
0xc2: {  	s22 =	simm.s32 $0x0;
	s19 =	sadd.s32 $0xFFFFFFFF, s19;
	p2 =	por $0x0, $0x0;
	v9 =	vld [tilespmem:s23+$0x0]  }
0xc3: {  	_ =	sdelay $0x2  }
0xc4: {  	v10 =	vor.u32 s22, v5  }
0xc5: {  	vm5 =	vlt.s32 v10, v8;
	v9 =	vsub.s32 v9, v0  }
0xc6: {  	v9 =	vnsel vm5, $0x0, v9;
	_ =	sdelay $0x4  }
0xc7: {  	v9 =	vld.idx.msk [tilespmem:v9+s5+$0x0], vm5  }
0xc8: {  	v10 =	vld [tilespmem:s21+$0x0];
	_ =	sdelay $0x3  }
0xc9: {  	p1 =	sne.s32 s19, $0x1;
	vm5 =	vclass.f32 v9, $0x102  }
.Ltmp9:
0xca: {  	v9 =	vsel vm5, v10, v9;
	(pc) =	sbr.rel @!p1 .LBB2_14-.Ltmp9, $3  }
0xcb: {  	v9 =	vsub.f32 v10, v9;
	_ =	sdelay $0x1  }
0xcc: {  	s25 =	simm.s32 $0x7A90;
	s26 =	sadd.s32 $0xFFFFFFFF, s19;
	p2 =	por $0x1, $0x1;
	[tilespmem:s20+$0x0] =	vst v9  }
0xcd: {  	s24 =	simm.s32 $0x0;
	s23 =	simm.s32 $0xBA80;
	s19 =	simm.s32 $0x13A80;
	v9 =	vld [tilespmem:s25+$0x0]  }
.LBB2_15:
0xce: {  	p1 =	sne.s32 s26, $0x1;
	_ =	sdelay $0x1  }
0xcf: {  	s24 =	sadd.s32 $0x10, s24  }
0xd0: {  	v10 =	vor.u32 s24, v5  }
0xd1: {  	vm5 =	vlt.s32 v10, v8;
	v9 =	vsub.s32 v9, v0  }
0xd2: {  	v9 =	vnsel vm5, $0x0, v9;
	_ =	sdelay $0x4  }
0xd3: {  	v9 =	vld.idx.msk [tilespmem:v9+s5+$0x0], vm5  }
0xd4: {  	s23 =	sadd.s32 $0x10, s23  }
0xd5: {  	v10 =	vld [tilespmem:s23+$0x0];
	_ =	sdelay $0x3  }
0xd6: {  	vm5 =	vclass.f32 v9, $0x102  }
.Ltmp10:
0xd7: {  	v9 =	vsel vm5, v10, v9;
	(pc) =	sbr.rel @p1 .LBB2_15-.Ltmp10, $4  }
0xd8: {  	v9 =	vsub.f32 v10, v9  }
0xd9: {  	s19 =	sadd.s32 $0x10, s19  }
0xda: {  	s25 =	sadd.s32 $0x10, s25;
	[tilespmem:s19+$0x0] =	vst v9  }
0xdb: {  	s26 =	sadd.s32 $0xFFFFFFFF, s26;
	v9 =	vld [tilespmem:s25+$0x0]  }
.LBB2_16:
0xdc: {  	_ = 	snop  }
0xdd: {  	s24 =	sadd.s32 @p2 $0x10, s24  }
0xde: {  	s22 =	smov.u32 @p2 s24  }
0xdf: {  	v10 =	vor.u32 s22, v5  }
0xe0: {  	vm5 =	vlt.s32 v10, v8;
	v8 =	vsub.s32 v9, v0  }
0xe1: {  	v8 =	vnsel vm5, $0x0, v8;
	_ =	sdelay $0x3  }
0xe2: {  	s22 =	sadd.s32 @p2 $0x10, s23  }
0xe3: {  	s21 =	smov.u32 @p2 s22;
	v8 =	vld.idx.msk [tilespmem:v8+s5+$0x0], vm5  }
0xe4: {  	v63 =	vld [tilespmem:s21+$0x0];
	_ =	sdelay $0x3  }
0xe5: {  	vm5 =	vclass.f32 v8, $0x102  }
0xe6: {  	v8 =	vsel vm5, v63, v8  }
0xe7: {  	s19 =	sadd.s32 @p2 $0x10, s19;
	v8 =	vsub.f32 v63, v8  }
0xe8: {  	s20 =	smov.u32 @p2 s19  }
0xe9: {  	[tilespmem:s20+$0x0] =	vst v8  }
.LBB2_17:
0xea: {  	p1 =	slt.s32 s18, $0x1  }
0xeb: {  	s19 =	sadd.s32 $0x7F, s18;
	v8 =	vlaneseq.u32 @!p1  }
0xec: {  	v9 =	vld @!p1 [tilespmem:$0xFA80];
	s20 =	sand.u32 @!p1 $0xFFFFFF80, s19;
	v10 =	vadd.s32 @!p1 s18, v8  }
0xed: {  	v11 =	vld @!p1 [tilespmem:$0x13A80];
	s21 =	sadd.s32 @!p1 $0x10, s18;
	vm5 =	vlt.s32 @!p1 v10, s20  }
0xee: {  	v12 =	vadd.s32 @!p1 s21, v8  }
0xef: {  	s21 =	sadd.s32 @!p1 $0x20, s18;
	vm6 =	vlt.s32 @!p1 v12, s20  }
0xf0: {  	v13 =	vimm.s32 @!p1 $0x0;
	v14 =	vadd.s32 @!p1 s21, v8  }
0xf1: {  	s21 =	sadd.s32 @!p1 $0x30, s18;
	vm7 =	vlt.s32 @!p1 v14, s20;
	v9 =	vperm.xlane @!p1 v9, v13  }
0xf2: {  	s22 =	simm.s32 @!p1 $0xFA80;
	v11 =	vperm.xlane @!p1 v11, v13;
	v13 =	vadd.s32 @!p1 s21, v8  }
0xf3: {  	s23 =	sadd.s32 @!p1 $0x40, s18;
	s21 =	simm.s32 @!p1 $0x13A80;
	vm8 =	vlt.s32 @!p1 v13, s20;
	[tilespmem:v10+s22+$0x0] =	vst.idx.msk @!p1 vm5, v9  }
0xf4: {  	[tilespmem:v10+s21+$0x0] =	vst.idx.msk @!p1 vm5, v11;
	v10 =	vadd.s32 @!p1 s23, v8  }
0xf5: {  	s23 =	sadd.s32 @!p1 $0x50, s18;
	[tilespmem:v12+s22+$0x0] =	vst.idx.msk @!p1 vm6, v9;
	vm5 =	vlt.s32 @!p1 v10, s20  }
0xf6: {  	[tilespmem:v12+s21+$0x0] =	vst.idx.msk @!p1 vm6, v11;
	v12 =	vadd.s32 @!p1 s23, v8  }
0xf7: {  	s23 =	sadd.s32 @!p1 $0x60, s18;
	[tilespmem:v14+s22+$0x0] =	vst.idx.msk @!p1 vm7, v9;
	vm6 =	vlt.s32 @!p1 v12, s20  }
0xf8: {  	[tilespmem:v14+s21+$0x0] =	vst.idx.msk @!p1 vm7, v11;
	v14 =	vadd.s32 @!p1 s23, v8  }
0xf9: {  	s18 =	sadd.s32 @!p1 $0x70, s18;
	[tilespmem:v13+s22+$0x0] =	vst.idx.msk @!p1 vm8, v9;
	vm7 =	vlt.s32 @!p1 v14, s20  }
0xfa: {  	v8 =	vadd.s32 @!p1 s18, v8;
	[tilespmem:v13+s21+$0x0] =	vst.idx.msk @!p1 vm8, v11  }
0xfb: {  	vm8 =	vlt.s32 @!p1 v8, s20;
	[tilespmem:v10+s22+$0x0] =	vst.idx.msk @!p1 vm5, v9  }
0xfc: {  	s18 =	sshra.s32 s19, $0x7;
	[tilespmem:v10+s21+$0x0] =	vst.idx.msk @!p1 vm5, v11  }
0xfd: {  	p2 =	slt.s32 s18, $0x1;
	[tilespmem:v12+s22+$0x0] =	vst.idx.msk @!p1 vm6, v9  }
.Ltmp11:
0xfe: {  	[tilespmem:v12+s21+$0x0] =	vst.idx.msk @!p1 vm6, v11;
	(pc) =	sbr.rel @p2 .LBB2_23-.Ltmp11, $4  }
0xff: {  	[tilespmem:v14+s22+$0x0] =	vst.idx.msk @!p1 vm7, v9  }
0x100: {  	[tilespmem:v14+s21+$0x0] =	vst.idx.msk @!p1 vm7, v11  }
0x101: {  	[tilespmem:v8+s22+$0x0] =	vst.idx.msk @!p1 vm8, v9  }
0x102: {  	[tilespmem:v8+s21+$0x0] =	vst.idx.msk @!p1 vm8, v11  }
0x103: {  	p1 =	sne.s32 s18, $0x1  }
.Ltmp12:
0x104: {  	_ = 	snop;
	(pc) =	sbr.rel @!p1 .LBB2_20-.Ltmp12, $3  }
0x105: {  	_ =	sdelay $0x1  }
0x106: {  	s19 =	simm.s32 $0xFA80;
	s20 =	simm.s32 $0x13A80;
	s21 =	sadd.s32 $0xFFFFFFFF, s18  }
0x107: {  	[hbm4b:s4+s15] =	stream.indirect.scatter [tilespmem:s20], [sflag:$0x2], $0x1, s19, s15, $0xb8;
	[tilespmem:$0x17A80] =	vst v63  }
.LBB2_19:
0x108: {  	p2 =	sne.s32 s21, $0x1  }
.Ltmp13:
0x109: {  	_ = 	snop;
	(pc) =	sbr.rel @p2 .LBB2_19-.Ltmp13, $4  }
0x10a: {  	_ = 	snop  }
0x10b: {  	s19 =	sadd.s32 $0x80, s19;
	s20 =	sadd.s32 $0x80, s20  }
0x10c: {  	s21 =	sadd.s32 $0xFFFFFFFF, s21  }
0x10d: {  	[hbm4b:s4+s15] =	stream.indirect.scatter [tilespmem:s20], [sflag:$0x2], $0x1, s19, s15, $0xb8;
	[tilespmem:$0x17A80] =	vst v63  }
.LBB2_20:
.Ltmp14:
0x10e: {  	(pc) =	sbr.rel @!p1 .LBB2_22-.Ltmp14, $3  }
0x10f: {  	_ =	sdelay $0x1  }
0x110: {  	_ =	swait.ge [sflag:s16], $0x80  }
0x111: {  	s18 =	sadd.s32 $0xFFFFFFFF, s18;
	[sflag:s16] =	ssyncset.done $0x0  }
.LBB2_21:
0x112: {  	p1 =	sne.s32 s18, $0x1;
	s18 =	sadd.s32 $0xFFFFFFFF, s18;
	[sflag:s16] =	ssyncadd.s32 $0xFFFFFF80  }
.Ltmp15:
0x113: {  	(pc) =	sbr.rel @p1 .LBB2_21-.Ltmp15, $3  }
0x114: {  	_ =	sdelay $0x1  }
0x115: {  	_ =	swait.ge [sflag:s16], $0x80  }
0x116: {  	[sflag:s16] =	ssyncset.done $0x0  }
.Ltmp16:
0x117: {  	_ = 	snop;
	(pc) =	sbr.rel .LBB2_22-.Ltmp16, $1  }
0x118: {  	_ =	sdelay $0x3  }
.LBB2_5:
.Ltmp17:
0x119: {  	(pc) =	sbr.rel .LBB2_9-.Ltmp17, $2  }
0x11a: {  	_ =	sdelay $0x2  }
0x11b: {  	s22 =	simm.s32 $0x0  }
.LBB2_12:
.Ltmp18:
0x11c: {  	(pc) =	sbr.rel .LBB2_16-.Ltmp18, $2  }
0x11d: {  	_ =	sdelay $0x2  }
0x11e: {  	s24 =	simm.s32 $0x0;
	s23 =	simm.s32 $0xBA80;
	s19 =	simm.s32 $0x13A80  }
.LBB2_7:
.Ltmp19:
0x11f: {  	(pc) =	sbr.rel .LBB2_9-.Ltmp19, $2  }
0x120: {  	_ =	sdelay $0x2  }
0x121: {  	s22 =	simm.s32 $0x0  }
.LBB2_14:
.Ltmp20:
0x122: {  	(pc) =	sbr.rel .LBB2_16-.Ltmp20, $2  }
0x123: {  	_ =	sdelay $0x2  }
0x124: {  	s24 =	simm.s32 $0x0;
	s23 =	simm.s32 $0xBA80;
	s19 =	simm.s32 $0x13A80  }
.LBB2_24:
0x125: {  	_ =	sfence.sel $0x180000  }
0x126: {  	[bflag:$0x0] =	sbarrier.arrive $0xFFFF  }
0x127: {  	p0 =	sne.s32 s0, $0x0;
	_ =	strace $0x90000047  }
0x128: {  	s0 =	sadd.s32 @!p0 $0x100000, s3;
	[bflag:$0x2] =	sbarrier.arrive $0xFFFF  }
0x129: {  	[sflag:s0] =	ssyncadd.tile.s32 @!p0 $0x1;
	_ =	shalt  }
.Lfunc_end2:
_tile_overlayer_lowered:
.L_overlay_start_2:
0x12a: {  	(tag) =	ssettag $0x2  }
0x12b: {  	s0 =	rddreg [dreg:$0x0];
	s2 =	stileid.u32  }
0x12c: {  	s1 =	rddreg [dreg:$0x1];
	p0 =	sne.s32 s2, $0x0  }
0x12d: {  	s3 =	rddreg [dreg:$0x2];
	[bflag:$0x3] =	sbarrier.arrive $0xFFFF;
	s2 =	simm.s32 @!p0 $0x1C03  }
0x12e: {  	[timem:s3], [sflag:s2] =	dma.local @!p0 [hbm:s0], s1  }
0x12f: {  	s0 =	simm.s32 @!p0 $0x3  }
0x130: {  	_ =	swait.ge @!p0 [sflag:s0], s1  }
0x131: {  	s1 =	ssub.s32 @!p0 $0x0, s1;
	[sflag:s0] =	ssyncset.done @!p0 $0x0  }
0x132: {  	[sflag:s0] =	ssyncadd.s32 @!p0 s1  }
0x133: {  	[bflag:$0x3] =	sbarrier.arrive $0xFFFF  }
0x134: {  	_ =	shalt  }

</sc_bundles>
